<compile_context>
chip_gen: v7x
topology: tpu7x:2x2x1
jax: 0.10.2.dev20260603
libtpu: 0.0.44.dev20260713+nightly
codegen_flags: <defaults>
</compile_context>

<pallas_src>
import functools

import jax
import jax.numpy as jnp
from jax import lax
from jax.experimental import pallas as pl
from jax.experimental.pallas import tpu as pltpu, tpu_sc as plsc

VOCAB = 100000
EMBED = 128
TOTAL = 1024 * 200

NC = 2
NS = 16
NW = NC * NS
PER_W = TOTAL // NW
G = 100
K = 4
CHUNK = G * K
NGROUP = PER_W // G
NCHUNK = PER_W // CHUNK
NBUF = 2
NROUND = NCHUNK // NBUF

_mesh = plsc.VectorSubcoreMesh(core_axis_name="c", subcore_axis_name="s")


@functools.partial(
    pl.kernel,
    out_type=jax.ShapeDtypeStruct((TOTAL, EMBED), jnp.float32),
    mesh=_mesh,
    scratch_types=(
        [pltpu.VMEM((NGROUP, G), jnp.int32)]
        + [pltpu.VMEM((CHUNK, EMBED), jnp.float32) for _ in range(NBUF)]
        + [pltpu.SemaphoreType.DMA for _ in range(2 * NBUF)]
    ),
)
def _emb_lookup(ids_hbm, table_hbm, out_hbm, idx_v, *bufs_and_sems):
    rows = bufs_and_sems[:NBUF]
    gsem = bufs_and_sems[NBUF:2 * NBUF]
    osem = bufs_and_sems[2 * NBUF:]
    wid = lax.axis_index("s") * NC + lax.axis_index("c")
    pltpu.sync_copy(ids_hbm.at[wid], idx_v)
    base = wid * PER_W

    def fire_gather(c, b):
        for j in range(K):
            pltpu.async_copy(
                table_hbm.at[idx_v.at[c * K + j]],
                rows[b].at[pl.ds(j * G, G)],
                gsem[b],
            )

    def wait_gather(b):
        for j in range(K):
            pltpu.make_async_copy(
                table_hbm.at[idx_v.at[j]], rows[b].at[pl.ds(j * G, G)], gsem[b]
            ).wait()

    def fire_out(c, b):
        pltpu.async_copy(
            rows[b], out_hbm.at[pl.ds(base + c * CHUNK, CHUNK)], osem[b]
        )

    def wait_out(b):
        pltpu.make_async_copy(
            rows[b], out_hbm.at[pl.ds(base, CHUNK)], osem[b]
        ).wait()

    for b in range(NBUF):
        fire_gather(b, b)
    for b in range(NBUF - 1):
        wait_gather(b)
        fire_out(b, b)

    def round_body(r, carry):
        c0 = r * NBUF + NBUF
        for b in range(NBUF):
            wait_out(b)
            fire_gather(c0 + b, b)
            pb = (b - 1) % NBUF
            wait_gather(pb)
            fire_out(c0 + b - 1, pb)
        return carry

    lax.fori_loop(0, NROUND - 1, round_body, 0)

    last = NCHUNK - 1
    wait_gather(last % NBUF)
    fire_out(last, last % NBUF)
    for b in range(NBUF):
        wait_out(b)


def kernel(input_ids, table):
    b, s = input_ids.shape
    ids = input_ids.reshape(NW, NGROUP, G).astype(jnp.int32)
    out = _emb_lookup(ids, table)
    return out.reshape(b, s, EMBED)

# --- scband reference (transcript-rebuilt; emitter-appended) ---
"""Pipeline reference for scband-gtsembedder-8160437862518 (READ-ONLY COPY).

The authoritative reference and input builder live on the scoring server;
editing this copy changes nothing except your own understanding.
"""

import jax, jax.numpy as jnp
import numpy as np

VOCAB = 100000
EMBED = 128
BATCH = 1024
SEQ = 200

def setup_inputs(seed: int = 0) -> dict:
    key = jax.random.key(seed)
    k1, k2 = jax.random.split(key)
    input_ids = jax.random.randint(k1, (BATCH, SEQ), 0, VOCAB, dtype=jnp.int64 if jax.config.jax_enable_x64 else jnp.int32)
    table = jax.random.normal(k2, (VOCAB, EMBED), dtype=jnp.float32)
    # padding_idx=0 -> row 0 is zeros, matching nn.Embedding(padding_idx=0)
    table = table.at[0].set(0.0)
    return {"input_ids": input_ids, "table": table}

def reference(input_ids, table):
    # nn.Embedding lookup: gather rows of the table.
    emb = jnp.take(table, input_ids, axis=0)  # (B, S, E)
    # Dropout is identity in eval mode (deterministic reference).
    return emb

if __name__ == "__main__":
    import jax
    _d = setup_inputs()
    print(jax.jit(kernel)(*tuple(_d.values())))

</pallas_src>

<mosaic_0001>
#map = affine_map<(d0, d1) -> (0, 0, 0)>
#map1 = affine_map<(d0, d1) -> (0, 0)>
module attributes {stable_mosaic.version = 14 : i64} {
  func.func @_emb_lookup(%arg0: i32, %arg1: i32, %arg2: memref<32x64x100xi32, #tpu.memory_space<hbm>>, %arg3: memref<100000x128xf32, #tpu.memory_space<hbm>>, %arg4: memref<204800x128xf32, #tpu.memory_space<hbm>>, %arg5: memref<64x100xi32, #tpu.memory_space<vmem>>, %arg6: memref<400x128xf32, #tpu.memory_space<vmem>>, %arg7: memref<400x128xf32, #tpu.memory_space<vmem>>, %arg8: memref<!tpu.dma_semaphore, #tpu.memory_space<semaphore_mem>>, %arg9: memref<!tpu.dma_semaphore, #tpu.memory_space<semaphore_mem>>, %arg10: memref<!tpu.dma_semaphore, #tpu.memory_space<semaphore_mem>>, %arg11: memref<!tpu.dma_semaphore, #tpu.memory_space<semaphore_mem>>) attributes {dimension_semantics = [#tpu.dimension_semantics<core_parallel>, #tpu.dimension_semantics<subcore_parallel>], iteration_bounds = array<i64: 2, 16>, scalar_prefetch = 0 : i64, scratch_operands = 7 : i64, tpu.core_type = #tpu.core_type<sc_vector_subcore>, window_params = [{transform_indices = #map}, {transform_indices = #map1}, {transform_indices = #map1}]} {
    %mul3A = arith.constant 2 : i32
    %mul3A_0 = arith.muli %arg1, %mul3A : i32
    %add3A = arith.addi %mul3A_0, %arg0 : i32
    "tpu.region"() ({
      %run_scoped3A = tpu.sem_alloc : memref<!tpu.dma_semaphore, #tpu.memory_space<semaphore_mem>>
      %dma_start3A_186 = arith.constant 0 : i32
      %dma_start3A_187 = arith.constant 0 : i32
      %dma_start3A_188 = tpu.memref_slice %arg2[%add3A, %dma_start3A_186, %dma_start3A_187] : memref<32x64x100xi32, #tpu.memory_space<hbm>> -> memref<1x64x100xi32, #tpu.memory_space<hbm>>
      %dma_start3A_189 = tpu.memref_squeeze %dma_start3A_188 : memref<1x64x100xi32, #tpu.memory_space<hbm>> -> memref<64x100xi32, #tpu.memory_space<hbm>>
      %dma_start3A_190 = arith.constant 0 : i32
      %dma_start3A_191 = arith.constant 0 : i32
      %dma_start3A_192 = tpu.memref_slice %arg2[%add3A, %dma_start3A_190, %dma_start3A_191] : memref<32x64x100xi32, #tpu.memory_space<hbm>> -> memref<1x64x100xi32, #tpu.memory_space<hbm>>
      %dma_start3A_193 = tpu.memref_squeeze %dma_start3A_192 : memref<1x64x100xi32, #tpu.memory_space<hbm>> -> memref<64x100xi32, #tpu.memory_space<hbm>>
      tpu.enqueue_dma source(%dma_start3A_193 : memref<64x100xi32, #tpu.memory_space<hbm>>) target(%arg5 : memref<64x100xi32, #tpu.memory_space<vmem>>) target_semaphore(%run_scoped3A : memref<!tpu.dma_semaphore, #tpu.memory_space<semaphore_mem>>)
      %dma_wait3A_194 = arith.constant 0 : i32
      %dma_wait3A_195 = arith.constant 0 : i32
      %dma_wait3A_196 = tpu.memref_slice %arg2[%add3A, %dma_wait3A_194, %dma_wait3A_195] : memref<32x64x100xi32, #tpu.memory_space<hbm>> -> memref<1x64x100xi32, #tpu.memory_space<hbm>>
      %dma_wait3A_197 = tpu.memref_squeeze %dma_wait3A_196 : memref<1x64x100xi32, #tpu.memory_space<hbm>> -> memref<64x100xi32, #tpu.memory_space<hbm>>
      %dma_wait3A_198 = arith.constant 0 : i32
      %dma_wait3A_199 = arith.constant 0 : i32
      %dma_wait3A_200 = tpu.memref_slice %arg2[%add3A, %dma_wait3A_198, %dma_wait3A_199] : memref<32x64x100xi32, #tpu.memory_space<hbm>> -> memref<1x64x100xi32, #tpu.memory_space<hbm>>
      %dma_wait3A_201 = tpu.memref_squeeze %dma_wait3A_200 : memref<1x64x100xi32, #tpu.memory_space<hbm>> -> memref<64x100xi32, #tpu.memory_space<hbm>>
      tpu.wait_dma2 semaphore(%run_scoped3A : memref<!tpu.dma_semaphore, #tpu.memory_space<semaphore_mem>>) src(%dma_wait3A_201 : memref<64x100xi32, #tpu.memory_space<hbm>>) dst(%arg5 : memref<64x100xi32, #tpu.memory_space<vmem>>)
      tpu.yield
    }) : () -> ()
    %mul3A_1 = arith.constant 6400 : i32
    %mul3A_2 = arith.muli %add3A, %mul3A_1 : i32
    %dma_start3A = arith.constant 0 : i32
    %dma_start3A_3 = arith.constant 0 : i32
    %dma_start3A_4 = arith.constant 0 : i32
    %dma_start3A_5 = tpu.memref_slice %arg6[%dma_start3A_3, %dma_start3A_4] : memref<400x128xf32, #tpu.memory_space<vmem>> -> memref<100x128xf32, #tpu.memory_space<vmem>>
    %dma_start3A_6 = arith.constant 0 : i32
    %dma_start3A_7 = tpu.memref_slice %arg5[%dma_start3A, %dma_start3A_6] : memref<64x100xi32, #tpu.memory_space<vmem>> -> memref<1x100xi32, #tpu.memory_space<vmem>>
    %dma_start3A_8 = tpu.memref_squeeze %dma_start3A_7 : memref<1x100xi32, #tpu.memory_space<vmem>> -> memref<100xi32, #tpu.memory_space<vmem>>
    %dma_start3A_9 = arith.constant 0 : i32
    %dma_start3A_10 = arith.constant 0 : i32
    %dma_start3A_11 = tpu.memref_slice %arg3[%dma_start3A_9, %dma_start3A_10] : memref<100000x128xf32, #tpu.memory_space<hbm>> -> memref<100000x128xf32, #tpu.memory_space<hbm>>
    tpu.enqueue_indirect_dma source(%dma_start3A_11 : memref<100000x128xf32, #tpu.memory_space<hbm>>) target(%dma_start3A_5 : memref<100x128xf32, #tpu.memory_space<vmem>>) offsets(%dma_start3A_8 : memref<100xi32, #tpu.memory_space<vmem>>) semaphore(%arg8 : memref<!tpu.dma_semaphore, #tpu.memory_space<semaphore_mem>>)
    %dma_start3A_12 = arith.constant 1 : i32
    %dma_start3A_13 = arith.constant 100 : i32
    %dma_start3A_14 = arith.constant 0 : i32
    %dma_start3A_15 = tpu.memref_slice %arg6[%dma_start3A_13, %dma_start3A_14] : memref<400x128xf32, #tpu.memory_space<vmem>> -> memref<100x128xf32, #tpu.memory_space<vmem>>
    %dma_start3A_16 = arith.constant 0 : i32
    %dma_start3A_17 = tpu.memref_slice %arg5[%dma_start3A_12, %dma_start3A_16] : memref<64x100xi32, #tpu.memory_space<vmem>> -> memref<1x100xi32, #tpu.memory_space<vmem>>
    %dma_start3A_18 = tpu.memref_squeeze %dma_start3A_17 : memref<1x100xi32, #tpu.memory_space<vmem>> -> memref<100xi32, #tpu.memory_space<vmem>>
    %dma_start3A_19 = arith.constant 0 : i32
    %dma_start3A_20 = arith.constant 0 : i32
    %dma_start3A_21 = tpu.memref_slice %arg3[%dma_start3A_19, %dma_start3A_20] : memref<100000x128xf32, #tpu.memory_space<hbm>> -> memref<100000x128xf32, #tpu.memory_space<hbm>>
    tpu.enqueue_indirect_dma source(%dma_start3A_21 : memref<100000x128xf32, #tpu.memory_space<hbm>>) target(%dma_start3A_15 : memref<100x128xf32, #tpu.memory_space<vmem>>) offsets(%dma_start3A_18 : memref<100xi32, #tpu.memory_space<vmem>>) semaphore(%arg8 : memref<!tpu.dma_semaphore, #tpu.memory_space<semaphore_mem>>)
    %dma_start3A_22 = arith.constant 2 : i32
    %dma_start3A_23 = arith.constant 200 : i32
    %dma_start3A_24 = arith.constant 0 : i32
    %dma_start3A_25 = tpu.memref_slice %arg6[%dma_start3A_23, %dma_start3A_24] : memref<400x128xf32, #tpu.memory_space<vmem>> -> memref<100x128xf32, #tpu.memory_space<vmem>>
    %dma_start3A_26 = arith.constant 0 : i32
    %dma_start3A_27 = tpu.memref_slice %arg5[%dma_start3A_22, %dma_start3A_26] : memref<64x100xi32, #tpu.memory_space<vmem>> -> memref<1x100xi32, #tpu.memory_space<vmem>>
    %dma_start3A_28 = tpu.memref_squeeze %dma_start3A_27 : memref<1x100xi32, #tpu.memory_space<vmem>> -> memref<100xi32, #tpu.memory_space<vmem>>
    %dma_start3A_29 = arith.constant 0 : i32
    %dma_start3A_30 = arith.constant 0 : i32
    %dma_start3A_31 = tpu.memref_slice %arg3[%dma_start3A_29, %dma_start3A_30] : memref<100000x128xf32, #tpu.memory_space<hbm>> -> memref<100000x128xf32, #tpu.memory_space<hbm>>
    tpu.enqueue_indirect_dma source(%dma_start3A_31 : memref<100000x128xf32, #tpu.memory_space<hbm>>) target(%dma_start3A_25 : memref<100x128xf32, #tpu.memory_space<vmem>>) offsets(%dma_start3A_28 : memref<100xi32, #tpu.memory_space<vmem>>) semaphore(%arg8 : memref<!tpu.dma_semaphore, #tpu.memory_space<semaphore_mem>>)
    %dma_start3A_32 = arith.constant 3 : i32
    %dma_start3A_33 = arith.constant 300 : i32
    %dma_start3A_34 = arith.constant 0 : i32
    %dma_start3A_35 = tpu.memref_slice %arg6[%dma_start3A_33, %dma_start3A_34] : memref<400x128xf32, #tpu.memory_space<vmem>> -> memref<100x128xf32, #tpu.memory_space<vmem>>
    %dma_start3A_36 = arith.constant 0 : i32
    %dma_start3A_37 = tpu.memref_slice %arg5[%dma_start3A_32, %dma_start3A_36] : memref<64x100xi32, #tpu.memory_space<vmem>> -> memref<1x100xi32, #tpu.memory_space<vmem>>
    %dma_start3A_38 = tpu.memref_squeeze %dma_start3A_37 : memref<1x100xi32, #tpu.memory_space<vmem>> -> memref<100xi32, #tpu.memory_space<vmem>>
    %dma_start3A_39 = arith.constant 0 : i32
    %dma_start3A_40 = arith.constant 0 : i32
    %dma_start3A_41 = tpu.memref_slice %arg3[%dma_start3A_39, %dma_start3A_40] : memref<100000x128xf32, #tpu.memory_space<hbm>> -> memref<100000x128xf32, #tpu.memory_space<hbm>>
    tpu.enqueue_indirect_dma source(%dma_start3A_41 : memref<100000x128xf32, #tpu.memory_space<hbm>>) target(%dma_start3A_35 : memref<100x128xf32, #tpu.memory_space<vmem>>) offsets(%dma_start3A_38 : memref<100xi32, #tpu.memory_space<vmem>>) semaphore(%arg8 : memref<!tpu.dma_semaphore, #tpu.memory_space<semaphore_mem>>)
    %dma_start3A_42 = arith.constant 4 : i32
    %dma_start3A_43 = arith.constant 0 : i32
    %dma_start3A_44 = arith.constant 0 : i32
    %dma_start3A_45 = tpu.memref_slice %arg7[%dma_start3A_43, %dma_start3A_44] : memref<400x128xf32, #tpu.memory_space<vmem>> -> memref<100x128xf32, #tpu.memory_space<vmem>>
    %dma_start3A_46 = arith.constant 0 : i32
    %dma_start3A_47 = tpu.memref_slice %arg5[%dma_start3A_42, %dma_start3A_46] : memref<64x100xi32, #tpu.memory_space<vmem>> -> memref<1x100xi32, #tpu.memory_space<vmem>>
    %dma_start3A_48 = tpu.memref_squeeze %dma_start3A_47 : memref<1x100xi32, #tpu.memory_space<vmem>> -> memref<100xi32, #tpu.memory_space<vmem>>
    %dma_start3A_49 = arith.constant 0 : i32
    %dma_start3A_50 = arith.constant 0 : i32
    %dma_start3A_51 = tpu.memref_slice %arg3[%dma_start3A_49, %dma_start3A_50] : memref<100000x128xf32, #tpu.memory_space<hbm>> -> memref<100000x128xf32, #tpu.memory_space<hbm>>
    tpu.enqueue_indirect_dma source(%dma_start3A_51 : memref<100000x128xf32, #tpu.memory_space<hbm>>) target(%dma_start3A_45 : memref<100x128xf32, #tpu.memory_space<vmem>>) offsets(%dma_start3A_48 : memref<100xi32, #tpu.memory_space<vmem>>) semaphore(%arg9 : memref<!tpu.dma_semaphore, #tpu.memory_space<semaphore_mem>>)
    %dma_start3A_52 = arith.constant 5 : i32
    %dma_start3A_53 = arith.constant 100 : i32
    %dma_start3A_54 = arith.constant 0 : i32
    %dma_start3A_55 = tpu.memref_slice %arg7[%dma_start3A_53, %dma_start3A_54] : memref<400x128xf32, #tpu.memory_space<vmem>> -> memref<100x128xf32, #tpu.memory_space<vmem>>
    %dma_start3A_56 = arith.constant 0 : i32
    %dma_start3A_57 = tpu.memref_slice %arg5[%dma_start3A_52, %dma_start3A_56] : memref<64x100xi32, #tpu.memory_space<vmem>> -> memref<1x100xi32, #tpu.memory_space<vmem>>
    %dma_start3A_58 = tpu.memref_squeeze %dma_start3A_57 : memref<1x100xi32, #tpu.memory_space<vmem>> -> memref<100xi32, #tpu.memory_space<vmem>>
    %dma_start3A_59 = arith.constant 0 : i32
    %dma_start3A_60 = arith.constant 0 : i32
    %dma_start3A_61 = tpu.memref_slice %arg3[%dma_start3A_59, %dma_start3A_60] : memref<100000x128xf32, #tpu.memory_space<hbm>> -> memref<100000x128xf32, #tpu.memory_space<hbm>>
    tpu.enqueue_indirect_dma source(%dma_start3A_61 : memref<100000x128xf32, #tpu.memory_space<hbm>>) target(%dma_start3A_55 : memref<100x128xf32, #tpu.memory_space<vmem>>) offsets(%dma_start3A_58 : memref<100xi32, #tpu.memory_space<vmem>>) semaphore(%arg9 : memref<!tpu.dma_semaphore, #tpu.memory_space<semaphore_mem>>)
    %dma_start3A_62 = arith.constant 6 : i32
    %dma_start3A_63 = arith.constant 200 : i32
    %dma_start3A_64 = arith.constant 0 : i32
    %dma_start3A_65 = tpu.memref_slice %arg7[%dma_start3A_63, %dma_start3A_64] : memref<400x128xf32, #tpu.memory_space<vmem>> -> memref<100x128xf32, #tpu.memory_space<vmem>>
    %dma_start3A_66 = arith.constant 0 : i32
    %dma_start3A_67 = tpu.memref_slice %arg5[%dma_start3A_62, %dma_start3A_66] : memref<64x100xi32, #tpu.memory_space<vmem>> -> memref<1x100xi32, #tpu.memory_space<vmem>>
    %dma_start3A_68 = tpu.memref_squeeze %dma_start3A_67 : memref<1x100xi32, #tpu.memory_space<vmem>> -> memref<100xi32, #tpu.memory_space<vmem>>
    %dma_start3A_69 = arith.constant 0 : i32
    %dma_start3A_70 = arith.constant 0 : i32
    %dma_start3A_71 = tpu.memref_slice %arg3[%dma_start3A_69, %dma_start3A_70] : memref<100000x128xf32, #tpu.memory_space<hbm>> -> memref<100000x128xf32, #tpu.memory_space<hbm>>
    tpu.enqueue_indirect_dma source(%dma_start3A_71 : memref<100000x128xf32, #tpu.memory_space<hbm>>) target(%dma_start3A_65 : memref<100x128xf32, #tpu.memory_space<vmem>>) offsets(%dma_start3A_68 : memref<100xi32, #tpu.memory_space<vmem>>) semaphore(%arg9 : memref<!tpu.dma_semaphore, #tpu.memory_space<semaphore_mem>>)
    %dma_start3A_72 = arith.constant 7 : i32
    %dma_start3A_73 = arith.constant 300 : i32
    %dma_start3A_74 = arith.constant 0 : i32
    %dma_start3A_75 = tpu.memref_slice %arg7[%dma_start3A_73, %dma_start3A_74] : memref<400x128xf32, #tpu.memory_space<vmem>> -> memref<100x128xf32, #tpu.memory_space<vmem>>
    %dma_start3A_76 = arith.constant 0 : i32
    %dma_start3A_77 = tpu.memref_slice %arg5[%dma_start3A_72, %dma_start3A_76] : memref<64x100xi32, #tpu.memory_space<vmem>> -> memref<1x100xi32, #tpu.memory_space<vmem>>
    %dma_start3A_78 = tpu.memref_squeeze %dma_start3A_77 : memref<1x100xi32, #tpu.memory_space<vmem>> -> memref<100xi32, #tpu.memory_space<vmem>>
    %dma_start3A_79 = arith.constant 0 : i32
    %dma_start3A_80 = arith.constant 0 : i32
    %dma_start3A_81 = tpu.memref_slice %arg3[%dma_start3A_79, %dma_start3A_80] : memref<100000x128xf32, #tpu.memory_space<hbm>> -> memref<100000x128xf32, #tpu.memory_space<hbm>>
    tpu.enqueue_indirect_dma source(%dma_start3A_81 : memref<100000x128xf32, #tpu.memory_space<hbm>>) target(%dma_start3A_75 : memref<100x128xf32, #tpu.memory_space<vmem>>) offsets(%dma_start3A_78 : memref<100xi32, #tpu.memory_space<vmem>>) semaphore(%arg9 : memref<!tpu.dma_semaphore, #tpu.memory_space<semaphore_mem>>)
    %dma_wait3A = arith.constant 0 : i32
    %dma_wait3A_82 = arith.constant 0 : i32
    %dma_wait3A_83 = arith.constant 0 : i32
    %dma_wait3A_84 = tpu.memref_slice %arg6[%dma_wait3A_82, %dma_wait3A_83] : memref<400x128xf32, #tpu.memory_space<vmem>> -> memref<100x128xf32, #tpu.memory_space<vmem>>
    %dma_wait3A_85 = arith.constant 0 : i32
    %dma_wait3A_86 = tpu.memref_slice %arg5[%dma_wait3A, %dma_wait3A_85] : memref<64x100xi32, #tpu.memory_space<vmem>> -> memref<1x100xi32, #tpu.memory_space<vmem>>
    %dma_wait3A_87 = tpu.memref_squeeze %dma_wait3A_86 : memref<1x100xi32, #tpu.memory_space<vmem>> -> memref<100xi32, #tpu.memory_space<vmem>>
    %dma_wait3A_88 = arith.constant 0 : i32
    %dma_wait3A_89 = arith.constant 0 : i32
    %dma_wait3A_90 = tpu.memref_slice %arg3[%dma_wait3A_88, %dma_wait3A_89] : memref<100000x128xf32, #tpu.memory_space<hbm>> -> memref<100000x128xf32, #tpu.memory_space<hbm>>
    tpu.wait_indirect_dma semaphore(%arg8 : memref<!tpu.dma_semaphore, #tpu.memory_space<semaphore_mem>>) src(%dma_wait3A_90 : memref<100000x128xf32, #tpu.memory_space<hbm>>) dst(%dma_wait3A_84 : memref<100x128xf32, #tpu.memory_space<vmem>>)
    %dma_wait3A_91 = arith.constant 1 : i32
    %dma_wait3A_92 = arith.constant 100 : i32
    %dma_wait3A_93 = arith.constant 0 : i32
    %dma_wait3A_94 = tpu.memref_slice %arg6[%dma_wait3A_92, %dma_wait3A_93] : memref<400x128xf32, #tpu.memory_space<vmem>> -> memref<100x128xf32, #tpu.memory_space<vmem>>
    %dma_wait3A_95 = arith.constant 0 : i32
    %dma_wait3A_96 = tpu.memref_slice %arg5[%dma_wait3A_91, %dma_wait3A_95] : memref<64x100xi32, #tpu.memory_space<vmem>> -> memref<1x100xi32, #tpu.memory_space<vmem>>
    %dma_wait3A_97 = tpu.memref_squeeze %dma_wait3A_96 : memref<1x100xi32, #tpu.memory_space<vmem>> -> memref<100xi32, #tpu.memory_space<vmem>>
    %dma_wait3A_98 = arith.constant 0 : i32
    %dma_wait3A_99 = arith.constant 0 : i32
    %dma_wait3A_100 = tpu.memref_slice %arg3[%dma_wait3A_98, %dma_wait3A_99] : memref<100000x128xf32, #tpu.memory_space<hbm>> -> memref<100000x128xf32, #tpu.memory_space<hbm>>
    tpu.wait_indirect_dma semaphore(%arg8 : memref<!tpu.dma_semaphore, #tpu.memory_space<semaphore_mem>>) src(%dma_wait3A_100 : memref<100000x128xf32, #tpu.memory_space<hbm>>) dst(%dma_wait3A_94 : memref<100x128xf32, #tpu.memory_space<vmem>>)
    %dma_wait3A_101 = arith.constant 2 : i32
    %dma_wait3A_102 = arith.constant 200 : i32
    %dma_wait3A_103 = arith.constant 0 : i32
    %dma_wait3A_104 = tpu.memref_slice %arg6[%dma_wait3A_102, %dma_wait3A_103] : memref<400x128xf32, #tpu.memory_space<vmem>> -> memref<100x128xf32, #tpu.memory_space<vmem>>
    %dma_wait3A_105 = arith.constant 0 : i32
    %dma_wait3A_106 = tpu.memref_slice %arg5[%dma_wait3A_101, %dma_wait3A_105] : memref<64x100xi32, #tpu.memory_space<vmem>> -> memref<1x100xi32, #tpu.memory_space<vmem>>
    %dma_wait3A_107 = tpu.memref_squeeze %dma_wait3A_106 : memref<1x100xi32, #tpu.memory_space<vmem>> -> memref<100xi32, #tpu.memory_space<vmem>>
    %dma_wait3A_108 = arith.constant 0 : i32
    %dma_wait3A_109 = arith.constant 0 : i32
    %dma_wait3A_110 = tpu.memref_slice %arg3[%dma_wait3A_108, %dma_wait3A_109] : memref<100000x128xf32, #tpu.memory_space<hbm>> -> memref<100000x128xf32, #tpu.memory_space<hbm>>
    tpu.wait_indirect_dma semaphore(%arg8 : memref<!tpu.dma_semaphore, #tpu.memory_space<semaphore_mem>>) src(%dma_wait3A_110 : memref<100000x128xf32, #tpu.memory_space<hbm>>) dst(%dma_wait3A_104 : memref<100x128xf32, #tpu.memory_space<vmem>>)
    %dma_wait3A_111 = arith.constant 3 : i32
    %dma_wait3A_112 = arith.constant 300 : i32
    %dma_wait3A_113 = arith.constant 0 : i32
    %dma_wait3A_114 = tpu.memref_slice %arg6[%dma_wait3A_112, %dma_wait3A_113] : memref<400x128xf32, #tpu.memory_space<vmem>> -> memref<100x128xf32, #tpu.memory_space<vmem>>
    %dma_wait3A_115 = arith.constant 0 : i32
    %dma_wait3A_116 = tpu.memref_slice %arg5[%dma_wait3A_111, %dma_wait3A_115] : memref<64x100xi32, #tpu.memory_space<vmem>> -> memref<1x100xi32, #tpu.memory_space<vmem>>
    %dma_wait3A_117 = tpu.memref_squeeze %dma_wait3A_116 : memref<1x100xi32, #tpu.memory_space<vmem>> -> memref<100xi32, #tpu.memory_space<vmem>>
    %dma_wait3A_118 = arith.constant 0 : i32
    %dma_wait3A_119 = arith.constant 0 : i32
    %dma_wait3A_120 = tpu.memref_slice %arg3[%dma_wait3A_118, %dma_wait3A_119] : memref<100000x128xf32, #tpu.memory_space<hbm>> -> memref<100000x128xf32, #tpu.memory_space<hbm>>
    tpu.wait_indirect_dma semaphore(%arg8 : memref<!tpu.dma_semaphore, #tpu.memory_space<semaphore_mem>>) src(%dma_wait3A_120 : memref<100000x128xf32, #tpu.memory_space<hbm>>) dst(%dma_wait3A_114 : memref<100x128xf32, #tpu.memory_space<vmem>>)
    %add3A_121 = arith.constant 0 : i32
    %add3A_122 = arith.addi %mul3A_2, %add3A_121 : i32
    %dma_start3A_123 = arith.constant 0 : i32
    %dma_start3A_124 = tpu.memref_slice %arg4[%add3A_122, %dma_start3A_123] : memref<204800x128xf32, #tpu.memory_space<hbm>> -> memref<400x128xf32, #tpu.memory_space<hbm>>
    %dma_start3A_125 = arith.constant 0 : i32
    %dma_start3A_126 = tpu.memref_slice %arg4[%add3A_122, %dma_start3A_125] : memref<204800x128xf32, #tpu.memory_space<hbm>> -> memref<400x128xf32, #tpu.memory_space<hbm>>
    tpu.enqueue_dma source(%arg6 : memref<400x128xf32, #tpu.memory_space<vmem>>) target(%dma_start3A_126 : memref<400x128xf32, #tpu.memory_space<hbm>>) target_semaphore(%arg10 : memref<!tpu.dma_semaphore, #tpu.memory_space<semaphore_mem>>)
    %scan3A = arith.constant 0 : i32
    %scan3A_127 = arith.constant 0 : i32
    %scan3A_128 = arith.constant 7 : i32
    %scan3A_129 = arith.addi %scan3A_127, %scan3A_128 : i32
    %scan3A_130 = arith.constant 1 : i32
    scf.for %scan3A_186 = %scan3A_127 to %scan3A_129 step %scan3A_130  : i32 {
      %mul3A_187 = arith.constant 2 : i32
      %mul3A_188 = arith.muli %scan3A_186, %mul3A_187 : i32
      %add3A_189 = arith.constant 2 : i32
      %add3A_190 = arith.addi %mul3A_188, %add3A_189 : i32
      %dma_wait3A_191 = arith.constant 0 : i32
      %dma_wait3A_192 = tpu.memref_slice %arg4[%mul3A_2, %dma_wait3A_191] : memref<204800x128xf32, #tpu.memory_space<hbm>> -> memref<400x128xf32, #tpu.memory_space<hbm>>
      %dma_wait3A_193 = arith.constant 0 : i32
      %dma_wait3A_194 = tpu.memref_slice %arg4[%mul3A_2, %dma_wait3A_193] : memref<204800x128xf32, #tpu.memory_space<hbm>> -> memref<400x128xf32, #tpu.memory_space<hbm>>
      tpu.wait_dma2 semaphore(%arg10 : memref<!tpu.dma_semaphore, #tpu.memory_space<semaphore_mem>>) src(%arg6 : memref<400x128xf32, #tpu.memory_space<vmem>>) dst(%dma_wait3A_194 : memref<400x128xf32, #tpu.memory_space<hbm>>)
      %add3A_195 = arith.constant 0 : i32
      %add3A_196 = arith.addi %add3A_190, %add3A_195 : i32
      %mul3A_197 = arith.constant 4 : i32
      %mul3A_198 = arith.muli %add3A_196, %mul3A_197 : i32
      %add3A_199 = arith.constant 0 : i32
      %add3A_200 = arith.addi %mul3A_198, %add3A_199 : i32
      %dma_start3A_201 = arith.constant 0 : i32
      %dma_start3A_202 = arith.constant 0 : i32
      %dma_start3A_203 = tpu.memref_slice %arg6[%dma_start3A_201, %dma_start3A_202] : memref<400x128xf32, #tpu.memory_space<vmem>> -> memref<100x128xf32, #tpu.memory_space<vmem>>
      %dma_start3A_204 = arith.constant 0 : i32
      %dma_start3A_205 = tpu.memref_slice %arg5[%add3A_200, %dma_start3A_204] : memref<64x100xi32, #tpu.memory_space<vmem>> -> memref<1x100xi32, #tpu.memory_space<vmem>>
      %dma_start3A_206 = tpu.memref_squeeze %dma_start3A_205 : memref<1x100xi32, #tpu.memory_space<vmem>> -> memref<100xi32, #tpu.memory_space<vmem>>
      %dma_start3A_207 = arith.constant 0 : i32
      %dma_start3A_208 = arith.constant 0 : i32
      %dma_start3A_209 = tpu.memref_slice %arg3[%dma_start3A_207, %dma_start3A_208] : memref<100000x128xf32, #tpu.memory_space<hbm>> -> memref<100000x128xf32, #tpu.memory_space<hbm>>
      tpu.enqueue_indirect_dma source(%dma_start3A_209 : memref<100000x128xf32, #tpu.memory_space<hbm>>) target(%dma_start3A_203 : memref<100x128xf32, #tpu.memory_space<vmem>>) offsets(%dma_start3A_206 : memref<100xi32, #tpu.memory_space<vmem>>) semaphore(%arg8 : memref<!tpu.dma_semaphore, #tpu.memory_space<semaphore_mem>>)
      %mul3A_210 = arith.constant 4 : i32
      %mul3A_211 = arith.muli %add3A_196, %mul3A_210 : i32
      %add3A_212 = arith.constant 1 : i32
      %add3A_213 = arith.addi %mul3A_211, %add3A_212 : i32
      %dma_start3A_214 = arith.constant 100 : i32
      %dma_start3A_215 = arith.constant 0 : i32
      %dma_start3A_216 = tpu.memref_slice %arg6[%dma_start3A_214, %dma_start3A_215] : memref<400x128xf32, #tpu.memory_space<vmem>> -> memref<100x128xf32, #tpu.memory_space<vmem>>
      %dma_start3A_217 = arith.constant 0 : i32
      %dma_start3A_218 = tpu.memref_slice %arg5[%add3A_213, %dma_start3A_217] : memref<64x100xi32, #tpu.memory_space<vmem>> -> memref<1x100xi32, #tpu.memory_space<vmem>>
      %dma_start3A_219 = tpu.memref_squeeze %dma_start3A_218 : memref<1x100xi32, #tpu.memory_space<vmem>> -> memref<100xi32, #tpu.memory_space<vmem>>
      %dma_start3A_220 = arith.constant 0 : i32
      %dma_start3A_221 = arith.constant 0 : i32
      %dma_start3A_222 = tpu.memref_slice %arg3[%dma_start3A_220, %dma_start3A_221] : memref<100000x128xf32, #tpu.memory_space<hbm>> -> memref<100000x128xf32, #tpu.memory_space<hbm>>
      tpu.enqueue_indirect_dma source(%dma_start3A_222 : memref<100000x128xf32, #tpu.memory_space<hbm>>) target(%dma_start3A_216 : memref<100x128xf32, #tpu.memory_space<vmem>>) offsets(%dma_start3A_219 : memref<100xi32, #tpu.memory_space<vmem>>) semaphore(%arg8 : memref<!tpu.dma_semaphore, #tpu.memory_space<semaphore_mem>>)
      %mul3A_223 = arith.constant 4 : i32
      %mul3A_224 = arith.muli %add3A_196, %mul3A_223 : i32
      %add3A_225 = arith.constant 2 : i32
      %add3A_226 = arith.addi %mul3A_224, %add3A_225 : i32
      %dma_start3A_227 = arith.constant 200 : i32
      %dma_start3A_228 = arith.constant 0 : i32
      %dma_start3A_229 = tpu.memref_slice %arg6[%dma_start3A_227, %dma_start3A_228] : memref<400x128xf32, #tpu.memory_space<vmem>> -> memref<100x128xf32, #tpu.memory_space<vmem>>
      %dma_start3A_230 = arith.constant 0 : i32
      %dma_start3A_231 = tpu.memref_slice %arg5[%add3A_226, %dma_start3A_230] : memref<64x100xi32, #tpu.memory_space<vmem>> -> memref<1x100xi32, #tpu.memory_space<vmem>>
      %dma_start3A_232 = tpu.memref_squeeze %dma_start3A_231 : memref<1x100xi32, #tpu.memory_space<vmem>> -> memref<100xi32, #tpu.memory_space<vmem>>
      %dma_start3A_233 = arith.constant 0 : i32
      %dma_start3A_234 = arith.constant 0 : i32
      %dma_start3A_235 = tpu.memref_slice %arg3[%dma_start3A_233, %dma_start3A_234] : memref<100000x128xf32, #tpu.memory_space<hbm>> -> memref<100000x128xf32, #tpu.memory_space<hbm>>
      tpu.enqueue_indirect_dma source(%dma_start3A_235 : memref<100000x128xf32, #tpu.memory_space<hbm>>) target(%dma_start3A_229 : memref<100x128xf32, #tpu.memory_space<vmem>>) offsets(%dma_start3A_232 : memref<100xi32, #tpu.memory_space<vmem>>) semaphore(%arg8 : memref<!tpu.dma_semaphore, #tpu.memory_space<semaphore_mem>>)
      %mul3A_236 = arith.constant 4 : i32
      %mul3A_237 = arith.muli %add3A_196, %mul3A_236 : i32
      %add3A_238 = arith.constant 3 : i32
      %add3A_239 = arith.addi %mul3A_237, %add3A_238 : i32
      %dma_start3A_240 = arith.constant 300 : i32
      %dma_start3A_241 = arith.constant 0 : i32
      %dma_start3A_242 = tpu.memref_slice %arg6[%dma_start3A_240, %dma_start3A_241] : memref<400x128xf32, #tpu.memory_space<vmem>> -> memref<100x128xf32, #tpu.memory_space<vmem>>
      %dma_start3A_243 = arith.constant 0 : i32
      %dma_start3A_244 = tpu.memref_slice %arg5[%add3A_239, %dma_start3A_243] : memref<64x100xi32, #tpu.memory_space<vmem>> -> memref<1x100xi32, #tpu.memory_space<vmem>>
      %dma_start3A_245 = tpu.memref_squeeze %dma_start3A_244 : memref<1x100xi32, #tpu.memory_space<vmem>> -> memref<100xi32, #tpu.memory_space<vmem>>
      %dma_start3A_246 = arith.constant 0 : i32
      %dma_start3A_247 = arith.constant 0 : i32
      %dma_start3A_248 = tpu.memref_slice %arg3[%dma_start3A_246, %dma_start3A_247] : memref<100000x128xf32, #tpu.memory_space<hbm>> -> memref<100000x128xf32, #tpu.memory_space<hbm>>
      tpu.enqueue_indirect_dma source(%dma_start3A_248 : memref<100000x128xf32, #tpu.memory_space<hbm>>) target(%dma_start3A_242 : memref<100x128xf32, #tpu.memory_space<vmem>>) offsets(%dma_start3A_245 : memref<100xi32, #tpu.memory_space<vmem>>) semaphore(%arg8 : memref<!tpu.dma_semaphore, #tpu.memory_space<semaphore_mem>>)
      %dma_wait3A_249 = arith.constant 0 : i32
      %dma_wait3A_250 = arith.constant 0 : i32
      %dma_wait3A_251 = arith.constant 0 : i32
      %dma_wait3A_252 = tpu.memref_slice %arg7[%dma_wait3A_250, %dma_wait3A_251] : memref<400x128xf32, #tpu.memory_space<vmem>> -> memref<100x128xf32, #tpu.memory_space<vmem>>
      %dma_wait3A_253 = arith.constant 0 : i32
      %dma_wait3A_254 = tpu.memref_slice %arg5[%dma_wait3A_249, %dma_wait3A_253] : memref<64x100xi32, #tpu.memory_space<vmem>> -> memref<1x100xi32, #tpu.memory_space<vmem>>
      %dma_wait3A_255 = tpu.memref_squeeze %dma_wait3A_254 : memref<1x100xi32, #tpu.memory_space<vmem>> -> memref<100xi32, #tpu.memory_space<vmem>>
      %dma_wait3A_256 = arith.constant 0 : i32
      %dma_wait3A_257 = arith.constant 0 : i32
      %dma_wait3A_258 = tpu.memref_slice %arg3[%dma_wait3A_256, %dma_wait3A_257] : memref<100000x128xf32, #tpu.memory_space<hbm>> -> memref<100000x128xf32, #tpu.memory_space<hbm>>
      tpu.wait_indirect_dma semaphore(%arg9 : memref<!tpu.dma_semaphore, #tpu.memory_space<semaphore_mem>>) src(%dma_wait3A_258 : memref<100000x128xf32, #tpu.memory_space<hbm>>) dst(%dma_wait3A_252 : memref<100x128xf32, #tpu.memory_space<vmem>>)
      %dma_wait3A_259 = arith.constant 1 : i32
      %dma_wait3A_260 = arith.constant 100 : i32
      %dma_wait3A_261 = arith.constant 0 : i32
      %dma_wait3A_262 = tpu.memref_slice %arg7[%dma_wait3A_260, %dma_wait3A_261] : memref<400x128xf32, #tpu.memory_space<vmem>> -> memref<100x128xf32, #tpu.memory_space<vmem>>
      %dma_wait3A_263 = arith.constant 0 : i32
      %dma_wait3A_264 = tpu.memref_slice %arg5[%dma_wait3A_259, %dma_wait3A_263] : memref<64x100xi32, #tpu.memory_space<vmem>> -> memref<1x100xi32, #tpu.memory_space<vmem>>
      %dma_wait3A_265 = tpu.memref_squeeze %dma_wait3A_264 : memref<1x100xi32, #tpu.memory_space<vmem>> -> memref<100xi32, #tpu.memory_space<vmem>>
      %dma_wait3A_266 = arith.constant 0 : i32
      %dma_wait3A_267 = arith.constant 0 : i32
      %dma_wait3A_268 = tpu.memref_slice %arg3[%dma_wait3A_266, %dma_wait3A_267] : memref<100000x128xf32, #tpu.memory_space<hbm>> -> memref<100000x128xf32, #tpu.memory_space<hbm>>
      tpu.wait_indirect_dma semaphore(%arg9 : memref<!tpu.dma_semaphore, #tpu.memory_space<semaphore_mem>>) src(%dma_wait3A_268 : memref<100000x128xf32, #tpu.memory_space<hbm>>) dst(%dma_wait3A_262 : memref<100x128xf32, #tpu.memory_space<vmem>>)
      %dma_wait3A_269 = arith.constant 2 : i32
      %dma_wait3A_270 = arith.constant 200 : i32
      %dma_wait3A_271 = arith.constant 0 : i32
      %dma_wait3A_272 = tpu.memref_slice %arg7[%dma_wait3A_270, %dma_wait3A_271] : memref<400x128xf32, #tpu.memory_space<vmem>> -> memref<100x128xf32, #tpu.memory_space<vmem>>
      %dma_wait3A_273 = arith.constant 0 : i32
      %dma_wait3A_274 = tpu.memref_slice %arg5[%dma_wait3A_269, %dma_wait3A_273] : memref<64x100xi32, #tpu.memory_space<vmem>> -> memref<1x100xi32, #tpu.memory_space<vmem>>
      %dma_wait3A_275 = tpu.memref_squeeze %dma_wait3A_274 : memref<1x100xi32, #tpu.memory_space<vmem>> -> memref<100xi32, #tpu.memory_space<vmem>>
      %dma_wait3A_276 = arith.constant 0 : i32
      %dma_wait3A_277 = arith.constant 0 : i32
      %dma_wait3A_278 = tpu.memref_slice %arg3[%dma_wait3A_276, %dma_wait3A_277] : memref<100000x128xf32, #tpu.memory_space<hbm>> -> memref<100000x128xf32, #tpu.memory_space<hbm>>
      tpu.wait_indirect_dma semaphore(%arg9 : memref<!tpu.dma_semaphore, #tpu.memory_space<semaphore_mem>>) src(%dma_wait3A_278 : memref<100000x128xf32, #tpu.memory_space<hbm>>) dst(%dma_wait3A_272 : memref<100x128xf32, #tpu.memory_space<vmem>>)
      %dma_wait3A_279 = arith.constant 3 : i32
      %dma_wait3A_280 = arith.constant 300 : i32
      %dma_wait3A_281 = arith.constant 0 : i32
      %dma_wait3A_282 = tpu.memref_slice %arg7[%dma_wait3A_280, %dma_wait3A_281] : memref<400x128xf32, #tpu.memory_space<vmem>> -> memref<100x128xf32, #tpu.memory_space<vmem>>
      %dma_wait3A_283 = arith.constant 0 : i32
      %dma_wait3A_284 = tpu.memref_slice %arg5[%dma_wait3A_279, %dma_wait3A_283] : memref<64x100xi32, #tpu.memory_space<vmem>> -> memref<1x100xi32, #tpu.memory_space<vmem>>
      %dma_wait3A_285 = tpu.memref_squeeze %dma_wait3A_284 : memref<1x100xi32, #tpu.memory_space<vmem>> -> memref<100xi32, #tpu.memory_space<vmem>>
      %dma_wait3A_286 = arith.constant 0 : i32
      %dma_wait3A_287 = arith.constant 0 : i32
      %dma_wait3A_288 = tpu.memref_slice %arg3[%dma_wait3A_286, %dma_wait3A_287] : memref<100000x128xf32, #tpu.memory_space<hbm>> -> memref<100000x128xf32, #tpu.memory_space<hbm>>
      tpu.wait_indirect_dma semaphore(%arg9 : memref<!tpu.dma_semaphore, #tpu.memory_space<semaphore_mem>>) src(%dma_wait3A_288 : memref<100000x128xf32, #tpu.memory_space<hbm>>) dst(%dma_wait3A_282 : memref<100x128xf32, #tpu.memory_space<vmem>>)
      %add3A_289 = arith.constant 0 : i32
      %add3A_290 = arith.addi %add3A_190, %add3A_289 : i32
      %sub3A = arith.constant 1 : i32
      %sub3A_291 = arith.subi %add3A_290, %sub3A : i32
      %mul3A_292 = arith.constant 400 : i32
      %mul3A_293 = arith.muli %sub3A_291, %mul3A_292 : i32
      %add3A_294 = arith.addi %mul3A_2, %mul3A_293 : i32
      %dma_start3A_295 = arith.constant 0 : i32
      %dma_start3A_296 = tpu.memref_slice %arg4[%add3A_294, %dma_start3A_295] : memref<204800x128xf32, #tpu.memory_space<hbm>> -> memref<400x128xf32, #tpu.memory_space<hbm>>
      %dma_start3A_297 = arith.constant 0 : i32
      %dma_start3A_298 = tpu.memref_slice %arg4[%add3A_294, %dma_start3A_297] : memref<204800x128xf32, #tpu.memory_space<hbm>> -> memref<400x128xf32, #tpu.memory_space<hbm>>
      tpu.enqueue_dma source(%arg7 : memref<400x128xf32, #tpu.memory_space<vmem>>) target(%dma_start3A_298 : memref<400x128xf32, #tpu.memory_space<hbm>>) target_semaphore(%arg11 : memref<!tpu.dma_semaphore, #tpu.memory_space<semaphore_mem>>)
      %dma_wait3A_299 = arith.constant 0 : i32
      %dma_wait3A_300 = tpu.memref_slice %arg4[%mul3A_2, %dma_wait3A_299] : memref<204800x128xf32, #tpu.memory_space<hbm>> -> memref<400x128xf32, #tpu.memory_space<hbm>>
      %dma_wait3A_301 = arith.constant 0 : i32
      %dma_wait3A_302 = tpu.memref_slice %arg4[%mul3A_2, %dma_wait3A_301] : memref<204800x128xf32, #tpu.memory_space<hbm>> -> memref<400x128xf32, #tpu.memory_space<hbm>>
      tpu.wait_dma2 semaphore(%arg11 : memref<!tpu.dma_semaphore, #tpu.memory_space<semaphore_mem>>) src(%arg7 : memref<400x128xf32, #tpu.memory_space<vmem>>) dst(%dma_wait3A_302 : memref<400x128xf32, #tpu.memory_space<hbm>>)
      %add3A_303 = arith.constant 1 : i32
      %add3A_304 = arith.addi %add3A_190, %add3A_303 : i32
      %mul3A_305 = arith.constant 4 : i32
      %mul3A_306 = arith.muli %add3A_304, %mul3A_305 : i32
      %add3A_307 = arith.constant 0 : i32
      %add3A_308 = arith.addi %mul3A_306, %add3A_307 : i32
      %dma_start3A_309 = arith.constant 0 : i32
      %dma_start3A_310 = arith.constant 0 : i32
      %dma_start3A_311 = tpu.memref_slice %arg7[%dma_start3A_309, %dma_start3A_310] : memref<400x128xf32, #tpu.memory_space<vmem>> -> memref<100x128xf32, #tpu.memory_space<vmem>>
      %dma_start3A_312 = arith.constant 0 : i32
      %dma_start3A_313 = tpu.memref_slice %arg5[%add3A_308, %dma_start3A_312] : memref<64x100xi32, #tpu.memory_space<vmem>> -> memref<1x100xi32, #tpu.memory_space<vmem>>
      %dma_start3A_314 = tpu.memref_squeeze %dma_start3A_313 : memref<1x100xi32, #tpu.memory_space<vmem>> -> memref<100xi32, #tpu.memory_space<vmem>>
      %dma_start3A_315 = arith.constant 0 : i32
      %dma_start3A_316 = arith.constant 0 : i32
      %dma_start3A_317 = tpu.memref_slice %arg3[%dma_start3A_315, %dma_start3A_316] : memref<100000x128xf32, #tpu.memory_space<hbm>> -> memref<100000x128xf32, #tpu.memory_space<hbm>>
      tpu.enqueue_indirect_dma source(%dma_start3A_317 : memref<100000x128xf32, #tpu.memory_space<hbm>>) target(%dma_start3A_311 : memref<100x128xf32, #tpu.memory_space<vmem>>) offsets(%dma_start3A_314 : memref<100xi32, #tpu.memory_space<vmem>>) semaphore(%arg9 : memref<!tpu.dma_semaphore, #tpu.memory_space<semaphore_mem>>)
      %mul3A_318 = arith.constant 4 : i32
      %mul3A_319 = arith.muli %add3A_304, %mul3A_318 : i32
      %add3A_320 = arith.constant 1 : i32
      %add3A_321 = arith.addi %mul3A_319, %add3A_320 : i32
      %dma_start3A_322 = arith.constant 100 : i32
      %dma_start3A_323 = arith.constant 0 : i32
      %dma_start3A_324 = tpu.memref_slice %arg7[%dma_start3A_322, %dma_start3A_323] : memref<400x128xf32, #tpu.memory_space<vmem>> -> memref<100x128xf32, #tpu.memory_space<vmem>>
      %dma_start3A_325 = arith.constant 0 : i32
      %dma_start3A_326 = tpu.memref_slice %arg5[%add3A_321, %dma_start3A_325] : memref<64x100xi32, #tpu.memory_space<vmem>> -> memref<1x100xi32, #tpu.memory_space<vmem>>
      %dma_start3A_327 = tpu.memref_squeeze %dma_start3A_326 : memref<1x100xi32, #tpu.memory_space<vmem>> -> memref<100xi32, #tpu.memory_space<vmem>>
      %dma_start3A_328 = arith.constant 0 : i32
      %dma_start3A_329 = arith.constant 0 : i32
      %dma_start3A_330 = tpu.memref_slice %arg3[%dma_start3A_328, %dma_start3A_329] : memref<100000x128xf32, #tpu.memory_space<hbm>> -> memref<100000x128xf32, #tpu.memory_space<hbm>>
      tpu.enqueue_indirect_dma source(%dma_start3A_330 : memref<100000x128xf32, #tpu.memory_space<hbm>>) target(%dma_start3A_324 : memref<100x128xf32, #tpu.memory_space<vmem>>) offsets(%dma_start3A_327 : memref<100xi32, #tpu.memory_space<vmem>>) semaphore(%arg9 : memref<!tpu.dma_semaphore, #tpu.memory_space<semaphore_mem>>)
      %mul3A_331 = arith.constant 4 : i32
      %mul3A_332 = arith.muli %add3A_304, %mul3A_331 : i32
      %add3A_333 = arith.constant 2 : i32
      %add3A_334 = arith.addi %mul3A_332, %add3A_333 : i32
      %dma_start3A_335 = arith.constant 200 : i32
      %dma_start3A_336 = arith.constant 0 : i32
      %dma_start3A_337 = tpu.memref_slice %arg7[%dma_start3A_335, %dma_start3A_336] : memref<400x128xf32, #tpu.memory_space<vmem>> -> memref<100x128xf32, #tpu.memory_space<vmem>>
      %dma_start3A_338 = arith.constant 0 : i32
      %dma_start3A_339 = tpu.memref_slice %arg5[%add3A_334, %dma_start3A_338] : memref<64x100xi32, #tpu.memory_space<vmem>> -> memref<1x100xi32, #tpu.memory_space<vmem>>
      %dma_start3A_340 = tpu.memref_squeeze %dma_start3A_339 : memref<1x100xi32, #tpu.memory_space<vmem>> -> memref<100xi32, #tpu.memory_space<vmem>>
      %dma_start3A_341 = arith.constant 0 : i32
      %dma_start3A_342 = arith.constant 0 : i32
      %dma_start3A_343 = tpu.memref_slice %arg3[%dma_start3A_341, %dma_start3A_342] : memref<100000x128xf32, #tpu.memory_space<hbm>> -> memref<100000x128xf32, #tpu.memory_space<hbm>>
      tpu.enqueue_indirect_dma source(%dma_start3A_343 : memref<100000x128xf32, #tpu.memory_space<hbm>>) target(%dma_start3A_337 : memref<100x128xf32, #tpu.memory_space<vmem>>) offsets(%dma_start3A_340 : memref<100xi32, #tpu.memory_space<vmem>>) semaphore(%arg9 : memref<!tpu.dma_semaphore, #tpu.memory_space<semaphore_mem>>)
      %mul3A_344 = arith.constant 4 : i32
      %mul3A_345 = arith.muli %add3A_304, %mul3A_344 : i32
      %add3A_346 = arith.constant 3 : i32
      %add3A_347 = arith.addi %mul3A_345, %add3A_346 : i32
      %dma_start3A_348 = arith.constant 300 : i32
      %dma_start3A_349 = arith.constant 0 : i32
      %dma_start3A_350 = tpu.memref_slice %arg7[%dma_start3A_348, %dma_start3A_349] : memref<400x128xf32, #tpu.memory_space<vmem>> -> memref<100x128xf32, #tpu.memory_space<vmem>>
      %dma_start3A_351 = arith.constant 0 : i32
      %dma_start3A_352 = tpu.memref_slice %arg5[%add3A_347, %dma_start3A_351] : memref<64x100xi32, #tpu.memory_space<vmem>> -> memref<1x100xi32, #tpu.memory_space<vmem>>
      %dma_start3A_353 = tpu.memref_squeeze %dma_start3A_352 : memref<1x100xi32, #tpu.memory_space<vmem>> -> memref<100xi32, #tpu.memory_space<vmem>>
      %dma_start3A_354 = arith.constant 0 : i32
      %dma_start3A_355 = arith.constant 0 : i32
      %dma_start3A_356 = tpu.memref_slice %arg3[%dma_start3A_354, %dma_start3A_355] : memref<100000x128xf32, #tpu.memory_space<hbm>> -> memref<100000x128xf32, #tpu.memory_space<hbm>>
      tpu.enqueue_indirect_dma source(%dma_start3A_356 : memref<100000x128xf32, #tpu.memory_space<hbm>>) target(%dma_start3A_350 : memref<100x128xf32, #tpu.memory_space<vmem>>) offsets(%dma_start3A_353 : memref<100xi32, #tpu.memory_space<vmem>>) semaphore(%arg9 : memref<!tpu.dma_semaphore, #tpu.memory_space<semaphore_mem>>)
      %dma_wait3A_357 = arith.constant 0 : i32
      %dma_wait3A_358 = arith.constant 0 : i32
      %dma_wait3A_359 = arith.constant 0 : i32
      %dma_wait3A_360 = tpu.memref_slice %arg6[%dma_wait3A_358, %dma_wait3A_359] : memref<400x128xf32, #tpu.memory_space<vmem>> -> memref<100x128xf32, #tpu.memory_space<vmem>>
      %dma_wait3A_361 = arith.constant 0 : i32
      %dma_wait3A_362 = tpu.memref_slice %arg5[%dma_wait3A_357, %dma_wait3A_361] : memref<64x100xi32, #tpu.memory_space<vmem>> -> memref<1x100xi32, #tpu.memory_space<vmem>>
      %dma_wait3A_363 = tpu.memref_squeeze %dma_wait3A_362 : memref<1x100xi32, #tpu.memory_space<vmem>> -> memref<100xi32, #tpu.memory_space<vmem>>
      %dma_wait3A_364 = arith.constant 0 : i32
      %dma_wait3A_365 = arith.constant 0 : i32
      %dma_wait3A_366 = tpu.memref_slice %arg3[%dma_wait3A_364, %dma_wait3A_365] : memref<100000x128xf32, #tpu.memory_space<hbm>> -> memref<100000x128xf32, #tpu.memory_space<hbm>>
      tpu.wait_indirect_dma semaphore(%arg8 : memref<!tpu.dma_semaphore, #tpu.memory_space<semaphore_mem>>) src(%dma_wait3A_366 : memref<100000x128xf32, #tpu.memory_space<hbm>>) dst(%dma_wait3A_360 : memref<100x128xf32, #tpu.memory_space<vmem>>)
      %dma_wait3A_367 = arith.constant 1 : i32
      %dma_wait3A_368 = arith.constant 100 : i32
      %dma_wait3A_369 = arith.constant 0 : i32
      %dma_wait3A_370 = tpu.memref_slice %arg6[%dma_wait3A_368, %dma_wait3A_369] : memref<400x128xf32, #tpu.memory_space<vmem>> -> memref<100x128xf32, #tpu.memory_space<vmem>>
      %dma_wait3A_371 = arith.constant 0 : i32
      %dma_wait3A_372 = tpu.memref_slice %arg5[%dma_wait3A_367, %dma_wait3A_371] : memref<64x100xi32, #tpu.memory_space<vmem>> -> memref<1x100xi32, #tpu.memory_space<vmem>>
      %dma_wait3A_373 = tpu.memref_squeeze %dma_wait3A_372 : memref<1x100xi32, #tpu.memory_space<vmem>> -> memref<100xi32, #tpu.memory_space<vmem>>
      %dma_wait3A_374 = arith.constant 0 : i32
      %dma_wait3A_375 = arith.constant 0 : i32
      %dma_wait3A_376 = tpu.memref_slice %arg3[%dma_wait3A_374, %dma_wait3A_375] : memref<100000x128xf32, #tpu.memory_space<hbm>> -> memref<100000x128xf32, #tpu.memory_space<hbm>>
      tpu.wait_indirect_dma semaphore(%arg8 : memref<!tpu.dma_semaphore, #tpu.memory_space<semaphore_mem>>) src(%dma_wait3A_376 : memref<100000x128xf32, #tpu.memory_space<hbm>>) dst(%dma_wait3A_370 : memref<100x128xf32, #tpu.memory_space<vmem>>)
      %dma_wait3A_377 = arith.constant 2 : i32
      %dma_wait3A_378 = arith.constant 200 : i32
      %dma_wait3A_379 = arith.constant 0 : i32
      %dma_wait3A_380 = tpu.memref_slice %arg6[%dma_wait3A_378, %dma_wait3A_379] : memref<400x128xf32, #tpu.memory_space<vmem>> -> memref<100x128xf32, #tpu.memory_space<vmem>>
      %dma_wait3A_381 = arith.constant 0 : i32
      %dma_wait3A_382 = tpu.memref_slice %arg5[%dma_wait3A_377, %dma_wait3A_381] : memref<64x100xi32, #tpu.memory_space<vmem>> -> memref<1x100xi32, #tpu.memory_space<vmem>>
      %dma_wait3A_383 = tpu.memref_squeeze %dma_wait3A_382 : memref<1x100xi32, #tpu.memory_space<vmem>> -> memref<100xi32, #tpu.memory_space<vmem>>
      %dma_wait3A_384 = arith.constant 0 : i32
      %dma_wait3A_385 = arith.constant 0 : i32
      %dma_wait3A_386 = tpu.memref_slice %arg3[%dma_wait3A_384, %dma_wait3A_385] : memref<100000x128xf32, #tpu.memory_space<hbm>> -> memref<100000x128xf32, #tpu.memory_space<hbm>>
      tpu.wait_indirect_dma semaphore(%arg8 : memref<!tpu.dma_semaphore, #tpu.memory_space<semaphore_mem>>) src(%dma_wait3A_386 : memref<100000x128xf32, #tpu.memory_space<hbm>>) dst(%dma_wait3A_380 : memref<100x128xf32, #tpu.memory_space<vmem>>)
      %dma_wait3A_387 = arith.constant 3 : i32
      %dma_wait3A_388 = arith.constant 300 : i32
      %dma_wait3A_389 = arith.constant 0 : i32
      %dma_wait3A_390 = tpu.memref_slice %arg6[%dma_wait3A_388, %dma_wait3A_389] : memref<400x128xf32, #tpu.memory_space<vmem>> -> memref<100x128xf32, #tpu.memory_space<vmem>>
      %dma_wait3A_391 = arith.constant 0 : i32
      %dma_wait3A_392 = tpu.memref_slice %arg5[%dma_wait3A_387, %dma_wait3A_391] : memref<64x100xi32, #tpu.memory_space<vmem>> -> memref<1x100xi32, #tpu.memory_space<vmem>>
      %dma_wait3A_393 = tpu.memref_squeeze %dma_wait3A_392 : memref<1x100xi32, #tpu.memory_space<vmem>> -> memref<100xi32, #tpu.memory_space<vmem>>
      %dma_wait3A_394 = arith.constant 0 : i32
      %dma_wait3A_395 = arith.constant 0 : i32
      %dma_wait3A_396 = tpu.memref_slice %arg3[%dma_wait3A_394, %dma_wait3A_395] : memref<100000x128xf32, #tpu.memory_space<hbm>> -> memref<100000x128xf32, #tpu.memory_space<hbm>>
      tpu.wait_indirect_dma semaphore(%arg8 : memref<!tpu.dma_semaphore, #tpu.memory_space<semaphore_mem>>) src(%dma_wait3A_396 : memref<100000x128xf32, #tpu.memory_space<hbm>>) dst(%dma_wait3A_390 : memref<100x128xf32, #tpu.memory_space<vmem>>)
      %add3A_397 = arith.constant 1 : i32
      %add3A_398 = arith.addi %add3A_190, %add3A_397 : i32
      %sub3A_399 = arith.constant 1 : i32
      %sub3A_400 = arith.subi %add3A_398, %sub3A_399 : i32
      %mul3A_401 = arith.constant 400 : i32
      %mul3A_402 = arith.muli %sub3A_400, %mul3A_401 : i32
      %add3A_403 = arith.addi %mul3A_2, %mul3A_402 : i32
      %dma_start3A_404 = arith.constant 0 : i32
      %dma_start3A_405 = tpu.memref_slice %arg4[%add3A_403, %dma_start3A_404] : memref<204800x128xf32, #tpu.memory_space<hbm>> -> memref<400x128xf32, #tpu.memory_space<hbm>>
      %dma_start3A_406 = arith.constant 0 : i32
      %dma_start3A_407 = tpu.memref_slice %arg4[%add3A_403, %dma_start3A_406] : memref<204800x128xf32, #tpu.memory_space<hbm>> -> memref<400x128xf32, #tpu.memory_space<hbm>>
      tpu.enqueue_dma source(%arg6 : memref<400x128xf32, #tpu.memory_space<vmem>>) target(%dma_start3A_407 : memref<400x128xf32, #tpu.memory_space<hbm>>) target_semaphore(%arg10 : memref<!tpu.dma_semaphore, #tpu.memory_space<semaphore_mem>>)
    }
    %scan3A_131 = arith.constant 7 : i32
    %dma_wait3A_132 = arith.constant 0 : i32
    %dma_wait3A_133 = arith.constant 0 : i32
    %dma_wait3A_134 = arith.constant 0 : i32
    %dma_wait3A_135 = tpu.memref_slice %arg7[%dma_wait3A_133, %dma_wait3A_134] : memref<400x128xf32, #tpu.memory_space<vmem>> -> memref<100x128xf32, #tpu.memory_space<vmem>>
    %dma_wait3A_136 = arith.constant 0 : i32
    %dma_wait3A_137 = tpu.memref_slice %arg5[%dma_wait3A_132, %dma_wait3A_136] : memref<64x100xi32, #tpu.memory_space<vmem>> -> memref<1x100xi32, #tpu.memory_space<vmem>>
    %dma_wait3A_138 = tpu.memref_squeeze %dma_wait3A_137 : memref<1x100xi32, #tpu.memory_space<vmem>> -> memref<100xi32, #tpu.memory_space<vmem>>
    %dma_wait3A_139 = arith.constant 0 : i32
    %dma_wait3A_140 = arith.constant 0 : i32
    %dma_wait3A_141 = tpu.memref_slice %arg3[%dma_wait3A_139, %dma_wait3A_140] : memref<100000x128xf32, #tpu.memory_space<hbm>> -> memref<100000x128xf32, #tpu.memory_space<hbm>>
    tpu.wait_indirect_dma semaphore(%arg9 : memref<!tpu.dma_semaphore, #tpu.memory_space<semaphore_mem>>) src(%dma_wait3A_141 : memref<100000x128xf32, #tpu.memory_space<hbm>>) dst(%dma_wait3A_135 : memref<100x128xf32, #tpu.memory_space<vmem>>)
    %dma_wait3A_142 = arith.constant 1 : i32
    %dma_wait3A_143 = arith.constant 100 : i32
    %dma_wait3A_144 = arith.constant 0 : i32
    %dma_wait3A_145 = tpu.memref_slice %arg7[%dma_wait3A_143, %dma_wait3A_144] : memref<400x128xf32, #tpu.memory_space<vmem>> -> memref<100x128xf32, #tpu.memory_space<vmem>>
    %dma_wait3A_146 = arith.constant 0 : i32
    %dma_wait3A_147 = tpu.memref_slice %arg5[%dma_wait3A_142, %dma_wait3A_146] : memref<64x100xi32, #tpu.memory_space<vmem>> -> memref<1x100xi32, #tpu.memory_space<vmem>>
    %dma_wait3A_148 = tpu.memref_squeeze %dma_wait3A_147 : memref<1x100xi32, #tpu.memory_space<vmem>> -> memref<100xi32, #tpu.memory_space<vmem>>
    %dma_wait3A_149 = arith.constant 0 : i32
    %dma_wait3A_150 = arith.constant 0 : i32
    %dma_wait3A_151 = tpu.memref_slice %arg3[%dma_wait3A_149, %dma_wait3A_150] : memref<100000x128xf32, #tpu.memory_space<hbm>> -> memref<100000x128xf32, #tpu.memory_space<hbm>>
    tpu.wait_indirect_dma semaphore(%arg9 : memref<!tpu.dma_semaphore, #tpu.memory_space<semaphore_mem>>) src(%dma_wait3A_151 : memref<100000x128xf32, #tpu.memory_space<hbm>>) dst(%dma_wait3A_145 : memref<100x128xf32, #tpu.memory_space<vmem>>)
    %dma_wait3A_152 = arith.constant 2 : i32
    %dma_wait3A_153 = arith.constant 200 : i32
    %dma_wait3A_154 = arith.constant 0 : i32
    %dma_wait3A_155 = tpu.memref_slice %arg7[%dma_wait3A_153, %dma_wait3A_154] : memref<400x128xf32, #tpu.memory_space<vmem>> -> memref<100x128xf32, #tpu.memory_space<vmem>>
    %dma_wait3A_156 = arith.constant 0 : i32
    %dma_wait3A_157 = tpu.memref_slice %arg5[%dma_wait3A_152, %dma_wait3A_156] : memref<64x100xi32, #tpu.memory_space<vmem>> -> memref<1x100xi32, #tpu.memory_space<vmem>>
    %dma_wait3A_158 = tpu.memref_squeeze %dma_wait3A_157 : memref<1x100xi32, #tpu.memory_space<vmem>> -> memref<100xi32, #tpu.memory_space<vmem>>
    %dma_wait3A_159 = arith.constant 0 : i32
    %dma_wait3A_160 = arith.constant 0 : i32
    %dma_wait3A_161 = tpu.memref_slice %arg3[%dma_wait3A_159, %dma_wait3A_160] : memref<100000x128xf32, #tpu.memory_space<hbm>> -> memref<100000x128xf32, #tpu.memory_space<hbm>>
    tpu.wait_indirect_dma semaphore(%arg9 : memref<!tpu.dma_semaphore, #tpu.memory_space<semaphore_mem>>) src(%dma_wait3A_161 : memref<100000x128xf32, #tpu.memory_space<hbm>>) dst(%dma_wait3A_155 : memref<100x128xf32, #tpu.memory_space<vmem>>)
    %dma_wait3A_162 = arith.constant 3 : i32
    %dma_wait3A_163 = arith.constant 300 : i32
    %dma_wait3A_164 = arith.constant 0 : i32
    %dma_wait3A_165 = tpu.memref_slice %arg7[%dma_wait3A_163, %dma_wait3A_164] : memref<400x128xf32, #tpu.memory_space<vmem>> -> memref<100x128xf32, #tpu.memory_space<vmem>>
    %dma_wait3A_166 = arith.constant 0 : i32
    %dma_wait3A_167 = tpu.memref_slice %arg5[%dma_wait3A_162, %dma_wait3A_166] : memref<64x100xi32, #tpu.memory_space<vmem>> -> memref<1x100xi32, #tpu.memory_space<vmem>>
    %dma_wait3A_168 = tpu.memref_squeeze %dma_wait3A_167 : memref<1x100xi32, #tpu.memory_space<vmem>> -> memref<100xi32, #tpu.memory_space<vmem>>
    %dma_wait3A_169 = arith.constant 0 : i32
    %dma_wait3A_170 = arith.constant 0 : i32
    %dma_wait3A_171 = tpu.memref_slice %arg3[%dma_wait3A_169, %dma_wait3A_170] : memref<100000x128xf32, #tpu.memory_space<hbm>> -> memref<100000x128xf32, #tpu.memory_space<hbm>>
    tpu.wait_indirect_dma semaphore(%arg9 : memref<!tpu.dma_semaphore, #tpu.memory_space<semaphore_mem>>) src(%dma_wait3A_171 : memref<100000x128xf32, #tpu.memory_space<hbm>>) dst(%dma_wait3A_165 : memref<100x128xf32, #tpu.memory_space<vmem>>)
    %add3A_172 = arith.constant 6000 : i32
    %add3A_173 = arith.addi %mul3A_2, %add3A_172 : i32
    %dma_start3A_174 = arith.constant 0 : i32
    %dma_start3A_175 = tpu.memref_slice %arg4[%add3A_173, %dma_start3A_174] : memref<204800x128xf32, #tpu.memory_space<hbm>> -> memref<400x128xf32, #tpu.memory_space<hbm>>
    %dma_start3A_176 = arith.constant 0 : i32
    %dma_start3A_177 = tpu.memref_slice %arg4[%add3A_173, %dma_start3A_176] : memref<204800x128xf32, #tpu.memory_space<hbm>> -> memref<400x128xf32, #tpu.memory_space<hbm>>
    tpu.enqueue_dma source(%arg7 : memref<400x128xf32, #tpu.memory_space<vmem>>) target(%dma_start3A_177 : memref<400x128xf32, #tpu.memory_space<hbm>>) target_semaphore(%arg11 : memref<!tpu.dma_semaphore, #tpu.memory_space<semaphore_mem>>)
    %dma_wait3A_178 = arith.constant 0 : i32
    %dma_wait3A_179 = tpu.memref_slice %arg4[%mul3A_2, %dma_wait3A_178] : memref<204800x128xf32, #tpu.memory_space<hbm>> -> memref<400x128xf32, #tpu.memory_space<hbm>>
    %dma_wait3A_180 = arith.constant 0 : i32
    %dma_wait3A_181 = tpu.memref_slice %arg4[%mul3A_2, %dma_wait3A_180] : memref<204800x128xf32, #tpu.memory_space<hbm>> -> memref<400x128xf32, #tpu.memory_space<hbm>>
    tpu.wait_dma2 semaphore(%arg10 : memref<!tpu.dma_semaphore, #tpu.memory_space<semaphore_mem>>) src(%arg6 : memref<400x128xf32, #tpu.memory_space<vmem>>) dst(%dma_wait3A_181 : memref<400x128xf32, #tpu.memory_space<hbm>>)
    %dma_wait3A_182 = arith.constant 0 : i32
    %dma_wait3A_183 = tpu.memref_slice %arg4[%mul3A_2, %dma_wait3A_182] : memref<204800x128xf32, #tpu.memory_space<hbm>> -> memref<400x128xf32, #tpu.memory_space<hbm>>
    %dma_wait3A_184 = arith.constant 0 : i32
    %dma_wait3A_185 = tpu.memref_slice %arg4[%mul3A_2, %dma_wait3A_184] : memref<204800x128xf32, #tpu.memory_space<hbm>> -> memref<400x128xf32, #tpu.memory_space<hbm>>
    tpu.wait_dma2 semaphore(%arg11 : memref<!tpu.dma_semaphore, #tpu.memory_space<semaphore_mem>>) src(%arg7 : memref<400x128xf32, #tpu.memory_space<vmem>>) dst(%dma_wait3A_185 : memref<400x128xf32, #tpu.memory_space<hbm>>)
    return
  }
}

</mosaic_0001>

<sc_bundles>
// kernel: kernel.3.cloned.1.call-start
scs
__scs_entry_jumppad:
0x0: {  	(pc) =	sbr.rel $0x88, $3  }
0x1: {  	(tag) =	ssettag $0x0;
	lr =	simm.s32 $0x1  }
0x2: {  	[smem:$0x3F9F] =	sst lr;
	_ =	strace $0xD0000000  }
0x3: {  	_ = 	snop  }
0x4: {  	_ = 	snop  }
0x5: {  	_ = 	snop  }
0x6: {  	_ = 	snop  }
0x7: {  	_ = 	snop  }
__scs_overlays_trampoline_lowered:
0x8: {  	[smem:$0x3FAE] =	sst s0  }
0x9: {  	[smem:$0x3FAF] =	sst s1  }
0xa: {  	[smem:$0x3FB0] =	sst s2  }
0xb: {  	[smem:$0x3FB1] =	sst s3  }
0xc: {  	[smem:$0x3FB2] =	sst s4  }
0xd: {  	[smem:$0x3FB3] =	sst s5  }
0xe: {  	[smem:$0x3FB4] =	sst s6  }
0xf: {  	[smem:$0x3FB5] =	sst s7  }
0x10: {  	[smem:$0x3FB6] =	sst s8  }
0x11: {  	[smem:$0x3FB7] =	sst s9;
	s0 =	simm.s32 @!p0 $0x0  }
0x12: {  	s1 =	sld [smem:$0x3F9D];
	s0 =	simm.s32 @p0 $0x1  }
0x13: {  	[smem:$0x3FB8] =	sst s0;
	s0 =	simm.s32 @!p1 $0x0  }
0x14: {  	s2 =	sld [smem:$0x3F9C];
	s0 =	simm.s32 @p1 $0x1  }
0x15: {  	[smem:$0x3FB9] =	sst s0;
	s0 =	simm.s32 @!p2 $0x0  }
0x16: {  	s3 =	sld [smem:$0x3FDB];
	s0 =	simm.s32 @p2 $0x1  }
0x17: {  	s4 =	simm.s32 $0x1BF5;
	[smem:$0x3FBB] =	sst s0  }
0x18: {  	s0 =	sld [smem:$0x3F9E];
	_ =	swait.ge [sflag:s4], $0x0  }
0x19: {  	s7 =	sld [smem:$0x3F9F]  }
0x1a: {  	s8 =	sadd.s32 $0xFFFFE003, lr  }
0x1b: {  	s9 =	sadd.s32 $0xFFFFFEF7, lr;
	s5 =	simm.s32 $0xFFFFFFFF;
	p2 =	slt.u32 s8, $0xFFFFF086  }
0x1c: {  	p1 =	slt.u32 s9, $0xF7A;
	s5 =	simm.s32 @!p2 $0x0  }
0x1d: {  	s5 =	simm.s32 @p1 $0x1;
	p0 =	seq.s32 s7, s2  }
0x1e: {  	s7 =	smul.u32 @!p0 $0xF7A, s2;
	p2 =	seq.s32 @!p0 s5, $0x0  }
0x1f: {  	s9 =	smul.u32 $0xF7A, s1;
	s8 =	simm.s32 @!p0 $0x1BF5;
	p2 =	por !p2, p0  }
0x20: {  	[sflag:s8] =	ssyncset.s32 @!p0 $0xFFFFF086;
	s6 =	sadd.s32 @!p0 s3, s7;
	s7 =	simm.s32 @!p0 $0x108  }
0x21: {  	s3 =	sadd.s32 s3, s9;
	s6 =	sadd.s32 @!p0 $0x88, s6;
	s7 =	simm.s32 @p2 $0x1082  }
0x22: {  	[simem:s7], [sflag:s8] =	dma.local @!p0 [hbm:s6], $0xF7A  }
0x23: {  	s9 =	sor.u32 $0xD0000000, s2;
	s6 =	simm.s32 $0x108;
	_ =	swait.ge @!p0 [sflag:s8], $0x0  }
0x24: {  	s3 =	sadd.s32 $0x88, s3;
	s6 =	simm.s32 @!p1 $0x1082;
	[sflag:s4] =	ssyncset.s32 $0xFFFFF086  }
0x25: {  	[simem:s6], [sflag:s4] =	dma.local [hbm:s3], $0xF7A  }
0x26: {  	[smem:$0x3F9F] =	sst s1;
	(tag) =	ssettag s2;
	_ =	strace s9  }
0x27: {  	s1 =	sld [smem:$0x3FAF]  }
0x28: {  	s2 =	sld [smem:$0x3FB0]  }
0x29: {  	s4 =	sld [smem:$0x3FB2]  }
0x2a: {  	p0 =	seq.s32 s5, $0x0;
	s5 =	sld [smem:$0x3FB3]  }
0x2b: {  	s6 =	sld [smem:$0x3FB4]  }
0x2c: {  	s7 =	sld [smem:$0x3FB5]  }
0x2d: {  	s3 =	simm.s32 $0x108;
	s8 =	sld [smem:$0x3FB6]  }
0x2e: {  	s3 =	simm.s32 @!p0 $0x1082;
	s9 =	sld [smem:$0x3FB7]  }
0x2f: {  	lr =	sadd.s32 s0, s3;
	s0 =	sld [smem:$0x3FAE]  }
0x30: {  	s3 =	sld [smem:$0x3FB1]  }
0x31: {  	[smem:$0x3FBA] =	sst s10  }
0x32: {  	s10 =	sld [smem:$0x3FB8];
	_ =	sdelay $0x3  }
0x33: {  	p0 =	seq.s32 s10, $0x1;
	s10 =	sld [smem:$0x3FBA];
	_ =	sdelay $0x3  }
0x34: {  	[smem:$0x3FBA] =	sst s10  }
0x35: {  	s10 =	sld [smem:$0x3FB9];
	_ =	sdelay $0x3  }
0x36: {  	p1 =	seq.s32 s10, $0x1;
	s10 =	sld [smem:$0x3FBA];
	_ =	sdelay $0x3  }
0x37: {  	[smem:$0x3FBA] =	sst s10  }
0x38: {  	s10 =	sld [smem:$0x3FBB]  }
0x39: {  	_ = 	snop;
	(pc) =	sbr.ind lr, $3  }
0x3a: {  	_ = 	snop  }
0x3b: {  	_ = 	snop  }
0x3c: {  	p2 =	seq.s32 s10, $0x1;
	s10 =	sld [smem:$0x3FBA]  }
0x3d: {  	_ =	shalt  }
0x3e: {  	_ =	shalt  }
0x3f: {  	_ =	shalt  }
0x40: {  	_ =	shalt  }
0x41: {  	_ =	shalt  }
0x42: {  	_ =	shalt  }
0x43: {  	_ =	shalt  }
0x44: {  	_ =	shalt  }
0x45: {  	_ =	shalt  }
0x46: {  	_ =	shalt  }
0x47: {  	_ =	shalt  }
0x48: {  	_ =	shalt  }
0x49: {  	_ =	shalt  }
0x4a: {  	_ =	shalt  }
0x4b: {  	_ =	shalt  }
0x4c: {  	_ =	shalt  }
0x4d: {  	_ =	shalt  }
0x4e: {  	_ =	shalt  }
0x4f: {  	_ =	shalt  }
0x50: {  	_ =	shalt  }
0x51: {  	_ =	shalt  }
0x52: {  	_ =	shalt  }
0x53: {  	_ =	shalt  }
0x54: {  	_ =	shalt  }
0x55: {  	_ =	shalt  }
0x56: {  	_ =	shalt  }
0x57: {  	_ =	shalt  }
0x58: {  	_ =	shalt  }
0x59: {  	_ =	shalt  }
0x5a: {  	_ =	shalt  }
0x5b: {  	_ =	shalt  }
0x5c: {  	_ =	shalt  }
0x5d: {  	_ =	shalt  }
0x5e: {  	_ =	shalt  }
0x5f: {  	_ =	shalt  }
0x60: {  	_ =	shalt  }
0x61: {  	_ =	shalt  }
0x62: {  	_ =	shalt  }
0x63: {  	_ =	shalt  }
0x64: {  	_ =	shalt  }
0x65: {  	_ =	shalt  }
0x66: {  	_ =	shalt  }
0x67: {  	_ =	shalt  }
0x68: {  	_ =	shalt  }
0x69: {  	_ =	shalt  }
0x6a: {  	_ =	shalt  }
0x6b: {  	_ =	shalt  }
0x6c: {  	_ =	shalt  }
0x6d: {  	_ =	shalt  }
0x6e: {  	_ =	shalt  }
0x6f: {  	_ =	shalt  }
0x70: {  	_ =	shalt  }
0x71: {  	_ =	shalt  }
0x72: {  	_ =	shalt  }
0x73: {  	_ =	shalt  }
0x74: {  	_ =	shalt  }
0x75: {  	_ =	shalt  }
0x76: {  	_ =	shalt  }
0x77: {  	_ =	shalt  }
0x78: {  	_ =	shalt  }
0x79: {  	_ =	shalt  }
0x7a: {  	_ =	shalt  }
0x7b: {  	_ =	shalt  }
0x7c: {  	_ =	shalt  }
0x7d: {  	_ =	shalt  }
0x7e: {  	_ =	shalt  }
0x7f: {  	_ =	shalt  }
0x80: {  	_ =	shalt  }
0x81: {  	_ =	shalt  }
0x82: {  	_ =	shalt  }
0x83: {  	_ =	shalt  }
0x84: {  	_ =	shalt  }
0x85: {  	_ =	shalt  }
0x86: {  	_ =	shalt  }
0x87: {  	_ =	shalt  }
.Lfunc_end0:
.L_simem_size_0:
called_computation_lowered:
.L_overlay_start_0:
0x88: {  	s2 =	sld [smem:$0x3FD9]  }
0x89: {  	s3 =	sld [smem:$0x3FFE];
	_ =	sdelay $0x1  }
0x8a: {  	s1 =	srdreg.scid  }
0x8b: {  	s0 =	sand.u32 $0x1, s1  }
0x8c: {  	s17 =	sshll.u32 s0, $0xA;
	s2 =	sadd.s32 s3, s2  }
0x8d: {  	s2 =	sadd.s32 s2, s17  }
0x8e: {  	[smem:$0x3FC6] =	sst s2  }
0x8f: {  	_ = 	snop  }
0x90: {  	s2 =	sld [smem:$0x3FC8]  }
0x91: {  	s18 =	sld [smem:$0x3FD0];
	(tm) =	ssettm $0x1  }
0x92: {  	s4 =	sld [smem:$0x3FFB];
	_ =	sdelay $0x3  }
0x93: {  	_ =	strace s4  }
0x94: {  	s4 =	sld [smem:$0x3FFC];
	_ =	sdelay $0x3  }
0x95: {  	_ =	strace s4  }
0x96: {  	s4 =	sld [smem:$0x3FFD];
	_ =	sdelay $0x3  }
0x97: {  	_ =	strace s4  }
0x98: {  	_ =	strace $0x8FFFFFFF  }
0x99: {  	s19 =	sld [smem:$0x3FDB];
	_ =	sdelay $0x1  }
0x9a: {  	s5 =	simm.s32 $_scs_section_size  }
0x9b: {  	s6 =	simm.s32 $_size__tile_overlayer_lowered;
	s7 =	simm.s32 $_tile_overlayer_lowered  }
0x9c: {  	s22 =	simm.s32 $0x1BFF;
	s21 =	sshll.u32 s7, $0x1;
	s4 =	sadd.s32 s5, s19  }
0x9d: {  	s8 =	simm.s32 $0x0;
	s20 =	sshll.u32 s6, $0x1;
	s6 =	sadd.s32 s21, s4  }
0x9e: {  	[timem:s8], [sflag:s22] =	dma.local [hbm:s6], s20  }
0x9f: {  	_ =	swait.ge [sflag:s22], s20  }
0xa0: {  	s5 =	ssub.s32 $0x0, s20;
	[sflag:s22] =	ssyncset.done $0x0  }
0xa1: {  	[sflag:s22] =	ssyncadd.s32 s5;
	_ =	sdelay $0x1  }
0xa2: {  	s23 =	simm.s32 $0x1B8B  }
0xa3: {  	_ =	swait.ge [sflag:s23], $0x1  }
0xa4: {  	[sflag:s23] =	ssyncset.done $0x0  }
0xa5: {  	s25 =	simm.s32 $0x1B8E;
	s24 =	sld [smem:$0x3FFE];
	[sflag:s23] =	ssyncadd.s32 $0xFFFFFFFF  }
0xa6: {  	s26 =	simm.s32 $execute0_lowered;
	[smem:$0x3FD2] =	sst s25  }
0xa7: {  	s6 =	sshll.u32 s26, $0x1;
	_ =	strace $0x80000046;
	[dreg:$0x1] =	wrdreg $0xFFFFFFFF  }
0xa8: {  	s28 =	simm.s32 $_size_execute0_lowered;
	s4 =	sadd.s32 s4, s6;
	[dreg:$0x0] =	wrdreg $0x0  }
0xa9: {  	s6 =	sshll.u32 s28, $0x1;
	[dreg:$0x2] =	wrdreg s4  }
0xaa: {  	[dreg:$0x3] =	wrdreg s6  }
0xab: {  	[dreg:$0x4] =	wrdreg $0xC0  }
0xac: {  	_ =	task [dreg:s8], $0x5FFFF  }
0xad: {  	[dreg:$0x1] =	wrdreg $0xFFFFFFFF  }
0xae: {  	[dreg:$0x0] =	wrdreg $0x60  }
0xaf: {  	[dreg:$0x2] =	wrdreg s24  }
0xb0: {  	[dreg:$0x3] =	wrdreg s2  }
0xb1: {  	[dreg:$0x4] =	wrdreg s18  }
0xb2: {  	[dreg:$0x5] =	wrdreg $0x9  }
0xb3: {  	_ =	task.clear_ibuf [dreg:s8], $0x6FFFF;
	_ =	strace $0x90000046  }
0xb4: {  	s29 =	simm.s32 $0x9;
	_ =	strace $0x80000048  }
0xb5: {  	_ =	swait.ge [sflag:s29], $0x1  }
0xb6: {  	[sflag:s29] =	ssyncadd.s32 $0xFFFFFFFF  }
0xb7: {  	_ =	strace $0x90000048  }
0xb8: {  	_ =	sfence  }
0xb9: {  	s30 =	sld [smem:$0x0];
	_ =	sdelay $0x2  }
0xba: {  	s31 =	sshll.u32 s1, $0xD;
	s1 =	sshrl.u32 s1, $0x2  }
0xbb: {  	s3 =	sand.u32 $0x4000, s31;
	s1 =	sadd.s32 s1, s30  }
0xbc: {  	s0 =	sor.u32 s3, s0;
	s1 =	sshll.u32 s1, $0x11  }
0xbd: {  	s0 =	sor.u32 s1, s0  }
0xbe: {  	s0 =	sadd.s32 $0x8F2B, s0  }
0xbf: {  	[sflag:s0] =	ssyncadd.remote.s32 $0x1  }
0xc0: {  	_ =	sfence.sel $0xFFFF  }
0xc1: {  	[dreg:$0x0] =	wrdreg $0xFFFFFFFF;
	(pc) =	sbr.abs _section_cstart, $3  }
0xc2: {  	[dreg:$0x1] =	wrdreg $0xFFFFFFFF  }
0xc3: {  	_ =	task.clear_ibuf [dreg:s8], $0x2FFFF;
	_ =	strace $0x9FFFFFFF  }
0xc4: {  	(tm) =	ssettm $0x7FFFFFFF  }
0xc5: {  	_ =	shalt  }
tec
execute0_lowered:
.L_overlay_start_1:
0x0: {  	(tag) =	ssettag $0x1  }
0x1: {  	s0 =	rddreg [dreg:$0x0]  }
0x2: {  	s2 =	rddreg [dreg:$0x1]  }
0x3: {  	s1 =	rddreg [dreg:$0x2];
	s4 =	srdreg.scid  }
0x4: {  	s9 =	stileid.u32;
	s3 =	simm.s32 $0x0;
	s10 =	simm.s32 $0x64  }
0x5: {  	s11 =	simm.s32 $0x2000;
	s13 =	simm.s32 $0x5200;
	s15 =	simm.s32 $0x8400  }
0x6: {  	s16 =	simm.s32 $0x180;
	s17 =	simm.s32 $0xB600;
	s18 =	simm.s32 $0x200  }
0x7: {  	s19 =	simm.s32 $0xE800;
	s20 =	simm.s32 $0x280;
	s21 =	simm.s32 $0x11A00  }
0x8: {  	s22 =	simm.s32 $0x300;
	s28 =	simm.s32 $0x3;
	s29 =	simm.s32 $0x2  }
0x9: {  	s30 =	simm.s32 $0x4;
	s31 =	simm.s32 $0x0;
	s4 =	sand.u32 $0x1, s4  }
0xa: {  	s5 =	sshll.u32 s9, $0x1;
	[smem:$0x7FF] =	sst s3;
	s9 =	smul.u32 $0x32000, s9  }
0xb: {  	s5 =	sor.u32 s4, s5;
	_ =	strace $0x80000047;
	s24 =	smul.u32 $0x19000, s4  }
0xc: {  	s8 =	ssub.s32 $0x2, s4;
	s6 =	smul.u32 $0x19000, s5;
	s7 =	sshll.u32 s5, $0xA  }
0xd: {  	s5 =	smul.u32 $0xC8000, s5;
	s23 =	sshrl.u32 s8, $0x1;
	s9 =	sadd.s32 s9, s1  }
0xe: {  	s0 =	sadd.s32 s7, s0;
	s7 =	ssub.s32 s8, s23;
	s26 =	sadd.s32 s24, s9  }
0xf: {  	s9 =	simm.s32 $0x5;
	s23 =	simm.s32 $0x14C00;
	s24 =	simm.s32 $0x380  }
0x10: {  	s5 =	sshrl.u32 s5, $0x3;
	s4 =	sadd.s32 $0x400, s0;
	s7 =	smax.u32 s7, $0x1  }
0x11: {  	s8 =	sadd.s32 $0x1900, s26;
	s26 =	simm.s32 $0x1;
	s25 =	sadd.s32 s1, s5  }
0x12: {  	s5 =	sadd.s32 s1, s6;
	s6 =	sadd.s32 $0x17700, s25;
	s25 =	simm.s32 $0x17E00  }
.LBB2_1:
0x13: {  	[tilespmem:s3], [sflag:$0x5] =	stream.linear.gather [hbm4b:s4+s3], $0x2000, $0x38;
	[tilespmem:$0x1B000] =	vst v63  }
0x14: {  	_ =	swait.ge [sflag:s9], $0x2000  }
0x15: {  	[sflag:s9] =	ssyncset.done $0x0  }
0x16: {  	[sflag:s9] =	ssyncadd.s32 $0xFFFFE000  }
0x17: {  	[tilespmem:s11], [sflag:$0x1] =	stream.indirect.gather [hbm4b:s2+s10], $0x80, s3, s10, $0xb8;
	[tilespmem:$0x1B000] =	vst v63  }
0x18: {  	s0 =	simm.s32 $0x80  }
0x19: {  	[tilespmem:s13], [sflag:$0x1] =	stream.indirect.gather [hbm4b:s2+s10], $0x80, s0, s10, $0xb8;
	[tilespmem:$0x1B000] =	vst v63  }
0x1a: {  	s1 =	simm.s32 $0x100  }
0x1b: {  	[tilespmem:s15], [sflag:$0x1] =	stream.indirect.gather [hbm4b:s2+s10], $0x80, s1, s10, $0xb8;
	[tilespmem:$0x1B000] =	vst v63  }
0x1c: {  	_ = 	snop  }
0x1d: {  	[tilespmem:s17], [sflag:$0x1] =	stream.indirect.gather [hbm4b:s2+s10], $0x80, s16, s10, $0xb8;
	[tilespmem:$0x1B000] =	vst v63  }
0x1e: {  	_ = 	snop  }
0x1f: {  	[tilespmem:s19], [sflag:$0x2] =	stream.indirect.gather [hbm4b:s2+s10], $0x80, s18, s10, $0xb8;
	[tilespmem:$0x1B000] =	vst v63  }
0x20: {  	_ = 	snop  }
0x21: {  	[tilespmem:s21], [sflag:$0x2] =	stream.indirect.gather [hbm4b:s2+s10], $0x80, s20, s10, $0xb8;
	[tilespmem:$0x1B000] =	vst v63  }
0x22: {  	_ = 	snop  }
0x23: {  	[tilespmem:s23], [sflag:$0x2] =	stream.indirect.gather [hbm4b:s2+s10], $0x80, s22, s10, $0xb8;
	[tilespmem:$0x1B000] =	vst v63  }
0x24: {  	_ = 	snop  }
0x25: {  	[tilespmem:s25], [sflag:$0x2] =	stream.indirect.gather [hbm4b:s2+s10], $0x80, s24, s10, $0xb8;
	[tilespmem:$0x1B000] =	vst v63  }
0x26: {  	_ =	swait.ge [sflag:s26], $0x3200  }
0x27: {  	[sflag:s26] =	ssyncset.done $0x0  }
0x28: {  	[sflag:s26] =	ssyncadd.s32 $0xFFFFCE00  }
0x29: {  	_ =	swait.ge [sflag:s26], $0x3200  }
0x2a: {  	[sflag:s26] =	ssyncset.done $0x0  }
0x2b: {  	[sflag:s26] =	ssyncadd.s32 $0xFFFFCE00  }
0x2c: {  	_ =	swait.ge [sflag:s26], $0x3200  }
0x2d: {  	[sflag:s26] =	ssyncset.done $0x0  }
0x2e: {  	[sflag:s26] =	ssyncadd.s32 $0xFFFFCE00  }
0x2f: {  	_ =	swait.ge [sflag:s26], $0x3200  }
0x30: {  	[sflag:s26] =	ssyncset.done $0x0  }
0x31: {  	[sflag:s26] =	ssyncadd.s32 $0xFFFFCE00  }
0x32: {  	[hbm4b:s5+s3] =	stream.linear.scatter [tilespmem:s11], [sflag:$0x3], $0xC800, $0x38;
	[tilespmem:$0x1B000] =	vst v63  }
0x33: {  	_ =	swait.ge [sflag:s28], $0xC800  }
0x34: {  	[sflag:s28] =	ssyncset.done $0x0  }
0x35: {  	s12 =	simm.s32 $0x400;
	[sflag:s28] =	ssyncadd.s32 $0xFFFF3800  }
0x36: {  	[tilespmem:s11], [sflag:$0x1] =	stream.indirect.gather [hbm4b:s2+s10], $0x80, s12, s10, $0xb8;
	[tilespmem:$0x1B000] =	vst v63  }
0x37: {  	s14 =	simm.s32 $0x480  }
0x38: {  	[tilespmem:s13], [sflag:$0x1] =	stream.indirect.gather [hbm4b:s2+s10], $0x80, s14, s10, $0xb8;
	[tilespmem:$0x1B000] =	vst v63  }
0x39: {  	s1 =	simm.s32 $0x500  }
0x3a: {  	[tilespmem:s15], [sflag:$0x1] =	stream.indirect.gather [hbm4b:s2+s10], $0x80, s1, s10, $0xb8;
	[tilespmem:$0x1B000] =	vst v63  }
0x3b: {  	s12 =	simm.s32 $0x580  }
0x3c: {  	[tilespmem:s17], [sflag:$0x1] =	stream.indirect.gather [hbm4b:s2+s10], $0x80, s12, s10, $0xb8;
	[tilespmem:$0x1B000] =	vst v63  }
0x3d: {  	_ =	swait.ge [sflag:s29], $0x3200  }
0x3e: {  	[sflag:s29] =	ssyncset.done $0x0  }
0x3f: {  	[sflag:s29] =	ssyncadd.s32 $0xFFFFCE00  }
0x40: {  	_ =	swait.ge [sflag:s29], $0x3200  }
0x41: {  	[sflag:s29] =	ssyncset.done $0x0  }
0x42: {  	[sflag:s29] =	ssyncadd.s32 $0xFFFFCE00  }
0x43: {  	_ =	swait.ge [sflag:s29], $0x3200  }
0x44: {  	[sflag:s29] =	ssyncset.done $0x0  }
0x45: {  	[sflag:s29] =	ssyncadd.s32 $0xFFFFCE00  }
0x46: {  	_ =	swait.ge [sflag:s29], $0x3200  }
0x47: {  	[sflag:s29] =	ssyncset.done $0x0  }
0x48: {  	[sflag:s29] =	ssyncadd.s32 $0xFFFFCE00  }
0x49: {  	[hbm4b:s8+s3] =	stream.linear.scatter [tilespmem:s19], [sflag:$0x4], $0xC800, $0x38;
	[tilespmem:$0x1B000] =	vst v63  }
0x4a: {  	_ =	swait.ge [sflag:s30], $0xC800  }
0x4b: {  	[sflag:s30] =	ssyncset.done $0x0  }
0x4c: {  	s14 =	simm.s32 $0x600;
	[sflag:s30] =	ssyncadd.s32 $0xFFFF3800  }
0x4d: {  	[tilespmem:s19], [sflag:$0x2] =	stream.indirect.gather [hbm4b:s2+s10], $0x80, s14, s10, $0xb8;
	[tilespmem:$0x1B000] =	vst v63  }
0x4e: {  	s1 =	simm.s32 $0x680  }
0x4f: {  	[tilespmem:s21], [sflag:$0x2] =	stream.indirect.gather [hbm4b:s2+s10], $0x80, s1, s10, $0xb8;
	[tilespmem:$0x1B000] =	vst v63  }
0x50: {  	s12 =	simm.s32 $0x700  }
0x51: {  	[tilespmem:s23], [sflag:$0x2] =	stream.indirect.gather [hbm4b:s2+s10], $0x80, s12, s10, $0xb8;
	[tilespmem:$0x1B000] =	vst v63  }
0x52: {  	s14 =	simm.s32 $0x780  }
0x53: {  	[tilespmem:s25], [sflag:$0x2] =	stream.indirect.gather [hbm4b:s2+s10], $0x80, s14, s10, $0xb8;
	[tilespmem:$0x1B000] =	vst v63  }
0x54: {  	_ =	swait.ge [sflag:s26], $0x3200  }
0x55: {  	[sflag:s26] =	ssyncset.done $0x0  }
0x56: {  	[sflag:s26] =	ssyncadd.s32 $0xFFFFCE00  }
0x57: {  	_ =	swait.ge [sflag:s26], $0x3200  }
0x58: {  	[sflag:s26] =	ssyncset.done $0x0  }
0x59: {  	[sflag:s26] =	ssyncadd.s32 $0xFFFFCE00  }
0x5a: {  	_ =	swait.ge [sflag:s26], $0x3200  }
0x5b: {  	[sflag:s26] =	ssyncset.done $0x0  }
0x5c: {  	[sflag:s26] =	ssyncadd.s32 $0xFFFFCE00  }
0x5d: {  	_ =	swait.ge [sflag:s26], $0x3200  }
0x5e: {  	s0 =	simm.s32 $0x1000;
	[sflag:s26] =	ssyncset.done $0x0  }
0x5f: {  	s1 =	sadd.s32 $0x3200, s8;
	s12 =	sadd.s32 $0x1900, s8;
	[sflag:s26] =	ssyncadd.s32 $0xFFFFCE00  }
.LBB2_2:
0x60: {  	[hbm4b:s12+s3] =	stream.linear.scatter [tilespmem:s11], [sflag:$0x3], $0xC800, $0x38;
	[tilespmem:$0x1B000] =	vst v63  }
0x61: {  	s12 =	smov.u32 s0  }
0x62: {  	p0 =	sne.s32 s0, $0x6000;
	s0 =	sadd.s32 $0x1000, s0;
	_ =	swait.ge [sflag:s28], $0xC800  }
0x63: {  	s12 =	sshra.s32 s12, $0x2;
	[sflag:s28] =	ssyncset.done $0x0  }
0x64: {  	s14 =	sadd.s32 $0x400, s12;
	[sflag:s28] =	ssyncadd.s32 $0xFFFF3800  }
0x65: {  	[tilespmem:s11], [sflag:$0x1] =	stream.indirect.gather [hbm4b:s2+s10], $0x80, s14, s10, $0xb8;
	[tilespmem:$0x1B000] =	vst v63  }
0x66: {  	s14 =	sadd.s32 $0x480, s12  }
0x67: {  	[tilespmem:s13], [sflag:$0x1] =	stream.indirect.gather [hbm4b:s2+s10], $0x80, s14, s10, $0xb8;
	[tilespmem:$0x1B000] =	vst v63  }
0x68: {  	s14 =	sadd.s32 $0x500, s12  }
0x69: {  	[tilespmem:s15], [sflag:$0x1] =	stream.indirect.gather [hbm4b:s2+s10], $0x80, s14, s10, $0xb8;
	[tilespmem:$0x1B000] =	vst v63  }
0x6a: {  	s14 =	sadd.s32 $0x580, s12  }
0x6b: {  	[tilespmem:s17], [sflag:$0x1] =	stream.indirect.gather [hbm4b:s2+s10], $0x80, s14, s10, $0xb8;
	[tilespmem:$0x1B000] =	vst v63  }
0x6c: {  	_ =	swait.ge [sflag:s29], $0x3200  }
0x6d: {  	[sflag:s29] =	ssyncset.done $0x0  }
0x6e: {  	[sflag:s29] =	ssyncadd.s32 $0xFFFFCE00  }
0x6f: {  	_ =	swait.ge [sflag:s29], $0x3200  }
0x70: {  	[sflag:s29] =	ssyncset.done $0x0  }
0x71: {  	[sflag:s29] =	ssyncadd.s32 $0xFFFFCE00  }
0x72: {  	_ =	swait.ge [sflag:s29], $0x3200  }
0x73: {  	[sflag:s29] =	ssyncset.done $0x0  }
0x74: {  	[sflag:s29] =	ssyncadd.s32 $0xFFFFCE00  }
0x75: {  	_ =	swait.ge [sflag:s29], $0x3200  }
0x76: {  	[sflag:s29] =	ssyncset.done $0x0  }
0x77: {  	[sflag:s29] =	ssyncadd.s32 $0xFFFFCE00  }
0x78: {  	[hbm4b:s1+s3] =	stream.linear.scatter [tilespmem:s19], [sflag:$0x4], $0xC800, $0x38;
	[tilespmem:$0x1B000] =	vst v63  }
0x79: {  	_ =	swait.ge [sflag:s30], $0xC800  }
0x7a: {  	[sflag:s30] =	ssyncset.done $0x0  }
0x7b: {  	s14 =	sadd.s32 $0x600, s12;
	[sflag:s30] =	ssyncadd.s32 $0xFFFF3800  }
0x7c: {  	[tilespmem:s19], [sflag:$0x2] =	stream.indirect.gather [hbm4b:s2+s10], $0x80, s14, s10, $0xb8;
	[tilespmem:$0x1B000] =	vst v63  }
0x7d: {  	s14 =	sadd.s32 $0x680, s12  }
0x7e: {  	[tilespmem:s21], [sflag:$0x2] =	stream.indirect.gather [hbm4b:s2+s10], $0x80, s14, s10, $0xb8;
	[tilespmem:$0x1B000] =	vst v63  }
0x7f: {  	s14 =	sadd.s32 $0x700, s12  }
0x80: {  	[tilespmem:s23], [sflag:$0x2] =	stream.indirect.gather [hbm4b:s2+s10], $0x80, s14, s10, $0xb8;
	[tilespmem:$0x1B000] =	vst v63  }
0x81: {  	s12 =	sadd.s32 $0x780, s12  }
0x82: {  	[tilespmem:s25], [sflag:$0x2] =	stream.indirect.gather [hbm4b:s2+s10], $0x80, s12, s10, $0xb8;
	[tilespmem:$0x1B000] =	vst v63  }
0x83: {  	_ =	swait.ge [sflag:s26], $0x3200  }
0x84: {  	[sflag:s26] =	ssyncset.done $0x0  }
0x85: {  	[sflag:s26] =	ssyncadd.s32 $0xFFFFCE00  }
0x86: {  	_ =	swait.ge [sflag:s26], $0x3200  }
0x87: {  	[sflag:s26] =	ssyncset.done $0x0  }
0x88: {  	[sflag:s26] =	ssyncadd.s32 $0xFFFFCE00  }
0x89: {  	_ =	swait.ge [sflag:s26], $0x3200  }
.Ltmp0:
0x8a: {  	[sflag:s26] =	ssyncset.done $0x0;
	(pc) =	sbr.rel @p0 .LBB2_2-.Ltmp0, $4  }
0x8b: {  	[sflag:s26] =	ssyncadd.s32 $0xFFFFCE00  }
0x8c: {  	_ =	swait.ge [sflag:s26], $0x3200  }
0x8d: {  	[sflag:s26] =	ssyncset.done $0x0  }
0x8e: {  	s12 =	sadd.s32 $0x1900, s1;
	s1 =	sadd.s32 $0x3200, s1;
	[sflag:s26] =	ssyncadd.s32 $0xFFFFCE00  }
0x8f: {  	[hbm4b:s12+s3] =	stream.linear.scatter [tilespmem:s11], [sflag:$0x3], $0xC800, $0x38;
	[tilespmem:$0x1B000] =	vst v63  }
0x90: {  	_ =	swait.ge [sflag:s29], $0x3200  }
0x91: {  	[sflag:s29] =	ssyncset.done $0x0  }
0x92: {  	[sflag:s29] =	ssyncadd.s32 $0xFFFFCE00  }
0x93: {  	_ =	swait.ge [sflag:s29], $0x3200  }
0x94: {  	[sflag:s29] =	ssyncset.done $0x0  }
0x95: {  	[sflag:s29] =	ssyncadd.s32 $0xFFFFCE00  }
0x96: {  	_ =	swait.ge [sflag:s29], $0x3200  }
0x97: {  	[sflag:s29] =	ssyncset.done $0x0  }
0x98: {  	[sflag:s29] =	ssyncadd.s32 $0xFFFFCE00  }
0x99: {  	_ =	swait.ge [sflag:s29], $0x3200  }
0x9a: {  	[sflag:s29] =	ssyncset.done $0x0  }
0x9b: {  	s31 =	sadd.s32 $0x1, s31;
	[sflag:s29] =	ssyncadd.s32 $0xFFFFCE00  }
0x9c: {  	[hbm4b:s6+s3] =	stream.linear.scatter [tilespmem:s19], [sflag:$0x4], $0xC800, $0x38;
	[tilespmem:$0x1B000] =	vst v63  }
0x9d: {  	p0 =	sne.s32 s31, s7;
	_ =	swait.ge [sflag:s28], $0xC800  }
.Ltmp1:
0x9e: {  	[sflag:s28] =	ssyncset.done $0x0;
	(pc) =	sbr.rel @p0 .LBB2_1-.Ltmp1, $4  }
0x9f: {  	[sflag:s28] =	ssyncadd.s32 $0xFFFF3800  }
0xa0: {  	_ =	swait.ge [sflag:s30], $0xC800  }
0xa1: {  	[sflag:s30] =	ssyncset.done $0x0  }
0xa2: {  	[sflag:s30] =	ssyncadd.s32 $0xFFFF3800  }
0xa3: {  	_ =	sfence.sel $0x180000  }
0xa4: {  	[bflag:$0x0] =	sbarrier.arrive $0xFFFF  }
0xa5: {  	_ =	strace $0x90000047  }
0xa6: {  	s0 =	stileid.u32;
	[bflag:$0x2] =	sbarrier.arrive $0xFFFF  }
0xa7: {  	p0 =	sne.s32 s0, $0x0;
	s0 =	rddreg [dreg:$0x3]  }
0xa8: {  	s0 =	sadd.s32 @!p0 $0x100000, s0  }
0xa9: {  	[sflag:s0] =	ssyncadd.tile.s32 @!p0 $0x1;
	_ =	shalt  }
.Lfunc_end2:
_tile_overlayer_lowered:
.L_overlay_start_2:
0xaa: {  	(tag) =	ssettag $0x2  }
0xab: {  	s0 =	rddreg [dreg:$0x0];
	s2 =	stileid.u32  }
0xac: {  	s1 =	rddreg [dreg:$0x1];
	p0 =	sne.s32 s2, $0x0  }
0xad: {  	s3 =	rddreg [dreg:$0x2];
	[bflag:$0x3] =	sbarrier.arrive $0xFFFF;
	s2 =	simm.s32 @!p0 $0x1C05  }
0xae: {  	[timem:s3], [sflag:s2] =	dma.local @!p0 [hbm:s0], s1  }
0xaf: {  	s0 =	simm.s32 @!p0 $0x5  }
0xb0: {  	_ =	swait.ge @!p0 [sflag:s0], s1  }
0xb1: {  	s1 =	ssub.s32 @!p0 $0x0, s1;
	[sflag:s0] =	ssyncset.done @!p0 $0x0  }
0xb2: {  	[sflag:s0] =	ssyncadd.s32 @!p0 s1  }
0xb3: {  	[bflag:$0x3] =	sbarrier.arrive $0xFFFF  }
0xb4: {  	_ =	shalt  }

</sc_bundles>
